<compile_context>
chip_gen: v7x
topology: tpu7x:2x2x1
jax: 0.10.2.dev20260603
libtpu: 0.0.44.dev20260713+nightly
codegen_flags: <defaults>
</compile_context>

<pallas_src>
import functools

import jax
import jax.numpy as jnp
from jax import lax
from jax.experimental import pallas as pl
from jax.experimental.pallas import tpu as pltpu
from jax.experimental.pallas import tpu_sc as plsc

N_VARS = 100000
N_CLAUSES = 100000
E = 3200000

NC = 2
NS = 16
L = 16
NW = NC * NS

WORDS = 4096
LOG2W = WORDS.bit_length() - 1
VPAD = 32 * WORDS
CPAD = 102400
CHUNK = 5120
NCHUNK = E // CHUNK
SLOTS = 20
NPAIR = SLOTS // 2
UNROLL = 8
ZUNROLL = 8
THRESH = 0.50001
RBLK = CPAD // 8


def _pack_body(x_ref, out_ref):
    x = x_ref[...]
    b = jnp.where(x >= THRESH, 1, 0).astype(jnp.int32)
    shifts = lax.broadcasted_iota(jnp.int32, (32, 1), 0)
    out_ref[...] = jnp.sum(b << shifts, axis=0, keepdims=True)


_pack_call = pl.pallas_call(
    _pack_body,
    out_shape=jax.ShapeDtypeStruct((1, WORDS), jnp.int32),
    compiler_params=pltpu.CompilerParams(allow_input_fusion=[True]),
)


_sc_mesh = plsc.VectorSubcoreMesh(core_axis_name="c", subcore_axis_name="s")


@functools.partial(
    pl.kernel,
    out_type=jax.ShapeDtypeStruct((NW, CPAD), jnp.int32),
    mesh=_sc_mesh,
    compiler_params=pltpu.CompilerParams(needs_layout_passes=False),
    scratch_types=[
        pltpu.VMEM((WORDS,), jnp.int32),
        pltpu.VMEM((CPAD,), jnp.int32),
        pltpu.VMEM((2, CHUNK), jnp.int32),
        pltpu.VMEM((2, CHUNK), jnp.int32),
        pltpu.SemaphoreType.DMA,
        pltpu.SemaphoreType.DMA,
    ],
)
def _scatter_kernel(packed_hbm, pos_hbm, neg_hbm, out_hbm,
                    packed_v, acc_v, e0_v, e1_v, s0, s1):
    wid = lax.axis_index("s") * NC + lax.axis_index("c")
    e_b = (e0_v, e1_v)
    s_b = (s0, s1)

    def chunk_id(k):
        return wid + k * NW

    def start(adj_hbm, bi, k):
        c = chunk_id(k)

        @pl.when(c < NCHUNK)
        def _():
            pltpu.async_copy(adj_hbm.at[:, pl.ds(c * CHUNK, CHUNK)],
                             e_b[bi], s_b[bi])

    def wait(adj_hbm, bi, k):
        @pl.when(chunk_id(k) < NCHUNK)
        def _():
            pltpu.make_async_copy(adj_hbm.at[:, pl.ds(0, CHUNK)],
                                  e_b[bi], s_b[bi]).wait()

    def process(bi, is_pos, k):
        @pl.when(chunk_id(k) < NCHUNK)
        def _():
            @plsc.parallel_loop(0, CHUNK, step=L, unroll=UNROLL)
            def _(o):
                iv = e_b[bi][1, pl.ds(o, L)]
                ic = e_b[bi][0, pl.ds(o, L)]
                word = plsc.load_gather(packed_v, [iv & (WORDS - 1)])
                sh = lax.shift_right_logical(iv, LOG2W)
                b = lax.shift_right_logical(word, sh) & 1
                val = b if is_pos else 1 - b
                plsc.addupdate_scatter(acc_v, [ic], val)

    start(pos_hbm, 0, 0)
    pltpu.sync_copy(packed_hbm, packed_v)

    zeros = jnp.zeros((L,), jnp.int32)

    @plsc.parallel_loop(0, CPAD, step=L, unroll=ZUNROLL)
    def _(o):
        acc_v[pl.ds(o, L)] = zeros

    for adj_hbm, is_pos in ((pos_hbm, True), (neg_hbm, False)):
        def pair(p, _, adj_hbm=adj_hbm, is_pos=is_pos):
            k0, k1 = 2 * p, 2 * p + 1
            wait(adj_hbm, 0, k0)
            start(adj_hbm, 1, k1)
            process(0, is_pos, k0)
            wait(adj_hbm, 1, k1)
            start(adj_hbm, 0, k0 + 2)
            process(1, is_pos, k1)
            return 0

        lax.fori_loop(0, NPAIR, pair, 0)
        if is_pos:
            start(neg_hbm, 0, 0)

    pltpu.sync_copy(acc_v, out_hbm.at[wid])


def _reduce_body(x_ref, out_ref):
    j = pl.program_id(0)
    s = jnp.sum(x_ref[...], axis=0, keepdims=True)
    cid = j * RBLK + lax.broadcasted_iota(jnp.int32, (1, RBLK), 1)
    s = jnp.where(cid < N_CLAUSES, s, jnp.int32(2**31 - 1))
    m = jnp.min(s)

    @pl.when(j == 0)
    def _():
        out_ref[0, 0] = m

    @pl.when(j > 0)
    def _():
        out_ref[0, 0] = jnp.minimum(out_ref[0, 0], m)


_reduce_call = pl.pallas_call(
    _reduce_body,
    grid=(CPAD // RBLK,),
    in_specs=[pl.BlockSpec((NW, RBLK), lambda j: (0, j))],
    out_specs=pl.BlockSpec(memory_space=pltpu.SMEM),
    out_shape=jax.ShapeDtypeStruct((1, 1), jnp.int32),
)


def kernel(xv, adj_pos, adj_neg):
    xvp = jnp.pad(xv, (0, VPAD - N_VARS)).reshape(32, WORDS)
    packed = _pack_call(xvp).reshape(WORDS)
    partials = _scatter_kernel(packed, adj_pos, adj_neg)
    m = _reduce_call(partials)
    return m[0, 0].astype(jnp.float32)

# --- scband reference (transcript-rebuilt; emitter-appended) ---
"""Pipeline reference for scband-accuracy-compute-12378095747449 (READ-ONLY COPY).

The authoritative reference and input builder live on the scoring server;
editing this copy changes nothing except your own understanding.
"""

import jax, jax.numpy as jnp
import numpy as np

N_VARS = 100000
N_CLAUSES = 100000
E = 3200000


def setup_inputs(seed: int = 0) -> dict:
    key = jax.random.key(seed)
    k1, k2, k3 = jax.random.split(key, 3)
    xv = jax.random.uniform(k1, (N_VARS,), dtype=jnp.float32)
    adj_pos = jax.random.randint(k2, (2, E), 0, N_CLAUSES, dtype=jnp.int32)
    adj_neg = jax.random.randint(k3, (2, E), 0, N_CLAUSES, dtype=jnp.int32)
    return {"xv": xv, "adj_pos": adj_pos, "adj_neg": adj_neg}


def reference(xv, adj_pos, adj_neg):
    # xv = xv.view(-1)
    xv = xv.reshape(-1)
    # binarize via floor-division: xv // 0.50001
    xv = jnp.floor_divide(xv, 0.50001)
    # gather variable assignments at positive / negative literal positions
    xp = xv[adj_pos[1]]
    xn = (1.0 - xv)[adj_neg[1]]
    x = jnp.concatenate((xp, xn))
    idx = jnp.concatenate((adj_pos[0], adj_neg[0]))
    # scatter(x, idx, reduce='sum') -> per-clause satisfied-literal counts
    clause_sat = jax.ops.segment_sum(x, idx, num_segments=N_CLAUSES)
    # min(clause_sat)
    return jnp.min(clause_sat)

if __name__ == "__main__":
    import jax
    _d = setup_inputs()
    print(jax.jit(kernel)(*tuple(_d.values())))

</pallas_src>

<mosaic_0001>
#map = affine_map<(d0, d1) -> (0)>
#map1 = affine_map<(d0, d1) -> (0, 0)>
module attributes {stable_mosaic.version = 14 : i64} {
  func.func @_scatter_kernel(%arg0: i32, %arg1: i32, %arg2: memref<4096xi32, #tpu.memory_space<hbm>>, %arg3: memref<2x3200000xi32, #tpu.memory_space<hbm>>, %arg4: memref<2x3200000xi32, #tpu.memory_space<hbm>>, %arg5: memref<32x102400xi32, #tpu.memory_space<hbm>>, %arg6: memref<4096xi32, #tpu.memory_space<vmem>>, %arg7: memref<102400xi32, #tpu.memory_space<vmem>>, %arg8: memref<2x5120xi32, #tpu.memory_space<vmem>>, %arg9: memref<2x5120xi32, #tpu.memory_space<vmem>>, %arg10: memref<!tpu.dma_semaphore, #tpu.memory_space<semaphore_mem>>, %arg11: memref<!tpu.dma_semaphore, #tpu.memory_space<semaphore_mem>>) attributes {dimension_semantics = [#tpu.dimension_semantics<core_parallel>, #tpu.dimension_semantics<subcore_parallel>], iteration_bounds = array<i64: 2, 16>, scalar_prefetch = 0 : i64, scratch_operands = 6 : i64, tpu.core_type = #tpu.core_type<sc_vector_subcore>, window_params = [{transform_indices = #map}, {transform_indices = #map1}, {transform_indices = #map1}, {transform_indices = #map1}]} {
    %mul3A = arith.constant 2 : i32
    %mul3A_0 = arith.muli %arg1, %mul3A : i32
    %add3A = arith.addi %mul3A_0, %arg0 : i32
    %add3A_1 = arith.constant 0 : i32
    %add3A_2 = arith.addi %add3A, %add3A_1 : i32
    %lt3A = arith.constant 625 : i32
    %lt3A_3 = arith.cmpi slt, %add3A_2, %lt3A : i32
    %convert_element_type3A = arith.extui %lt3A_3 : i1 to i32
    %cond3A = arith.constant 0 : i32
    %cond3A_4 = arith.cmpi ne, %convert_element_type3A, %cond3A : i32
    scf.if %cond3A_4 {
      %mul3A_28 = arith.constant 5120 : i32
      %mul3A_29 = arith.muli %add3A_2, %mul3A_28 : i32
      %dma_start3A = arith.constant 0 : i32
      %dma_start3A_30 = tpu.memref_slice %arg3[%dma_start3A, %mul3A_29] : memref<2x3200000xi32, #tpu.memory_space<hbm>> -> memref<2x5120xi32, #tpu.memory_space<hbm>>
      %dma_start3A_31 = arith.constant 0 : i32
      %dma_start3A_32 = tpu.memref_slice %arg3[%dma_start3A_31, %mul3A_29] : memref<2x3200000xi32, #tpu.memory_space<hbm>> -> memref<2x5120xi32, #tpu.memory_space<hbm>>
      tpu.enqueue_dma source(%dma_start3A_32 : memref<2x5120xi32, #tpu.memory_space<hbm>>) target(%arg8 : memref<2x5120xi32, #tpu.memory_space<vmem>>) target_semaphore(%arg10 : memref<!tpu.dma_semaphore, #tpu.memory_space<semaphore_mem>>)
    } else {
    }
    "tpu.region"() ({
      %run_scoped3A = tpu.sem_alloc : memref<!tpu.dma_semaphore, #tpu.memory_space<semaphore_mem>>
      tpu.enqueue_dma source(%arg2 : memref<4096xi32, #tpu.memory_space<hbm>>) target(%arg6 : memref<4096xi32, #tpu.memory_space<vmem>>) target_semaphore(%run_scoped3A : memref<!tpu.dma_semaphore, #tpu.memory_space<semaphore_mem>>)
      tpu.wait_dma2 semaphore(%run_scoped3A : memref<!tpu.dma_semaphore, #tpu.memory_space<semaphore_mem>>) src(%arg2 : memref<4096xi32, #tpu.memory_space<hbm>>) dst(%arg6 : memref<4096xi32, #tpu.memory_space<vmem>>)
      tpu.yield
    }) : () -> ()
    %broadcast_in_dim3A = arith.constant 0 : i32
    %broadcast_in_dim3A_5 = vector.broadcast %broadcast_in_dim3A : i32 to vector<16xi32>
    %parallel_loop3A = arith.constant 0 : i32
    %parallel_loop3A_6 = arith.constant 102400 : i32
    %parallel_loop3A_7 = arith.constant 16 : i32
    scf.for %parallel_loop3A_28 = %parallel_loop3A to %parallel_loop3A_6 step %parallel_loop3A_7  : i32 {
      %parallel_loop3A_29 = arith.index_cast %parallel_loop3A_28 : i32 to index
      %parallel_loop3A_30 = tpu.vector_load %arg7[%parallel_loop3A_29] {strides = array<i32>} : memref<102400xi32, #tpu.memory_space<vmem>>, vector<16xi32>,
      tpu.vector_store %arg7[%parallel_loop3A_29], %broadcast_in_dim3A_5 {strides = array<i32>} : memref<102400xi32, #tpu.memory_space<vmem>>, vector<16xi32>,
    } {sc.loop_unroll_factor = 8 : i64, sc.parallel_access}
    %scan3A = arith.constant 0 : i32
    %scan3A_8 = arith.constant 0 : i32
    %scan3A_9 = arith.constant 10 : i32
    %scan3A_10 = arith.addi %scan3A_8, %scan3A_9 : i32
    %scan3A_11 = arith.constant 1 : i32
    %scan3A_12 = scf.for %scan3A_28 = %scan3A_8 to %scan3A_10 step %scan3A_11 iter_args(%scan3A_29 = %scan3A) -> (i32)  : i32 {
      %mul3A_30 = arith.constant 2 : i32
      %mul3A_31 = arith.muli %mul3A_30, %scan3A_28 : i32
      %mul3A_32 = arith.constant 2 : i32
      %mul3A_33 = arith.muli %mul3A_32, %scan3A_28 : i32
      %add3A_34 = arith.constant 1 : i32
      %add3A_35 = arith.addi %mul3A_33, %add3A_34 : i32
      %mul3A_36 = arith.constant 32 : i32
      %mul3A_37 = arith.muli %mul3A_31, %mul3A_36 : i32
      %add3A_38 = arith.addi %add3A, %mul3A_37 : i32
      %lt3A_39 = arith.constant 625 : i32
      %lt3A_40 = arith.cmpi slt, %add3A_38, %lt3A_39 : i32
      %convert_element_type3A_41 = arith.extui %lt3A_40 : i1 to i32
      %cond3A_42 = arith.constant 0 : i32
      %cond3A_43 = arith.cmpi ne, %convert_element_type3A_41, %cond3A_42 : i32
      scf.if %cond3A_43 {
        %dma_wait3A = arith.constant 0 : i32
        %dma_wait3A_87 = arith.constant 0 : i32
        %dma_wait3A_88 = tpu.memref_slice %arg3[%dma_wait3A, %dma_wait3A_87] : memref<2x3200000xi32, #tpu.memory_space<hbm>> -> memref<2x5120xi32, #tpu.memory_space<hbm>>
        %dma_wait3A_89 = arith.constant 0 : i32
        %dma_wait3A_90 = arith.constant 0 : i32
        %dma_wait3A_91 = tpu.memref_slice %arg3[%dma_wait3A_89, %dma_wait3A_90] : memref<2x3200000xi32, #tpu.memory_space<hbm>> -> memref<2x5120xi32, #tpu.memory_space<hbm>>
        tpu.wait_dma2 semaphore(%arg10 : memref<!tpu.dma_semaphore, #tpu.memory_space<semaphore_mem>>) src(%dma_wait3A_91 : memref<2x5120xi32, #tpu.memory_space<hbm>>) dst(%arg8 : memref<2x5120xi32, #tpu.memory_space<vmem>>)
      } else {
      }
      %mul3A_44 = arith.constant 32 : i32
      %mul3A_45 = arith.muli %add3A_35, %mul3A_44 : i32
      %add3A_46 = arith.addi %add3A, %mul3A_45 : i32
      %lt3A_47 = arith.constant 625 : i32
      %lt3A_48 = arith.cmpi slt, %add3A_46, %lt3A_47 : i32
      %convert_element_type3A_49 = arith.extui %lt3A_48 : i1 to i32
      %cond3A_50 = arith.constant 0 : i32
      %cond3A_51 = arith.cmpi ne, %convert_element_type3A_49, %cond3A_50 : i32
      scf.if %cond3A_51 {
        %mul3A_87 = arith.constant 5120 : i32
        %mul3A_88 = arith.muli %add3A_46, %mul3A_87 : i32
        %dma_start3A = arith.constant 0 : i32
        %dma_start3A_89 = tpu.memref_slice %arg3[%dma_start3A, %mul3A_88] : memref<2x3200000xi32, #tpu.memory_space<hbm>> -> memref<2x5120xi32, #tpu.memory_space<hbm>>
        %dma_start3A_90 = arith.constant 0 : i32
        %dma_start3A_91 = tpu.memref_slice %arg3[%dma_start3A_90, %mul3A_88] : memref<2x3200000xi32, #tpu.memory_space<hbm>> -> memref<2x5120xi32, #tpu.memory_space<hbm>>
        tpu.enqueue_dma source(%dma_start3A_91 : memref<2x5120xi32, #tpu.memory_space<hbm>>) target(%arg9 : memref<2x5120xi32, #tpu.memory_space<vmem>>) target_semaphore(%arg11 : memref<!tpu.dma_semaphore, #tpu.memory_space<semaphore_mem>>)
      } else {
      }
      %mul3A_52 = arith.constant 32 : i32
      %mul3A_53 = arith.muli %mul3A_31, %mul3A_52 : i32
      %add3A_54 = arith.addi %add3A, %mul3A_53 : i32
      %lt3A_55 = arith.constant 625 : i32
      %lt3A_56 = arith.cmpi slt, %add3A_54, %lt3A_55 : i32
      %convert_element_type3A_57 = arith.extui %lt3A_56 : i1 to i32
      %cond3A_58 = arith.constant 0 : i32
      %cond3A_59 = arith.cmpi ne, %convert_element_type3A_57, %cond3A_58 : i32
      scf.if %cond3A_59 {
        %parallel_loop3A_87 = arith.constant 0 : i32
        %parallel_loop3A_88 = arith.constant 5120 : i32
        %parallel_loop3A_89 = arith.constant 16 : i32
        scf.for %parallel_loop3A_90 = %parallel_loop3A_87 to %parallel_loop3A_88 step %parallel_loop3A_89  : i32 {
          %parallel_loop3A_91 = arith.constant 1 : i32
          %parallel_loop3A_92 = arith.index_cast %parallel_loop3A_91 : i32 to index
          %parallel_loop3A_93 = arith.index_cast %parallel_loop3A_90 : i32 to index
          %parallel_loop3A_94 = tpu.vector_load %arg8[%parallel_loop3A_92, %parallel_loop3A_93] {strides = array<i32>} : memref<2x5120xi32, #tpu.memory_space<vmem>>, vector<16xi32>,
          %parallel_loop3A_95 = arith.constant 0 : i32
          %parallel_loop3A_96 = arith.index_cast %parallel_loop3A_95 : i32 to index
          %parallel_loop3A_97 = arith.index_cast %parallel_loop3A_90 : i32 to index
          %parallel_loop3A_98 = tpu.vector_load %arg8[%parallel_loop3A_96, %parallel_loop3A_97] {strides = array<i32>} : memref<2x5120xi32, #tpu.memory_space<vmem>>, vector<16xi32>,
          %parallel_loop3A_99 = arith.constant 4095 : i32
          %parallel_loop3A_100 = vector.broadcast %parallel_loop3A_99 : i32 to vector<16xi32>
          %parallel_loop3A_101 = arith.andi %parallel_loop3A_94, %parallel_loop3A_100 : vector<16xi32>
          %parallel_loop3A_102 = tpu.vector_load_idx %arg6[%parallel_loop3A_101] : memref<4096xi32, #tpu.memory_space<vmem>>[vector<16xi32>], vector<16xi32>,
          %parallel_loop3A_103 = arith.constant 12 : i32
          %parallel_loop3A_104 = vector.broadcast %parallel_loop3A_103 : i32 to vector<16xi32>
          %parallel_loop3A_105 = arith.shrui %parallel_loop3A_94, %parallel_loop3A_104 : vector<16xi32>
          %parallel_loop3A_106 = arith.shrui %parallel_loop3A_102, %parallel_loop3A_105 : vector<16xi32>
          %parallel_loop3A_107 = arith.constant 1 : i32
          %parallel_loop3A_108 = vector.broadcast %parallel_loop3A_107 : i32 to vector<16xi32>
          %parallel_loop3A_109 = arith.andi %parallel_loop3A_106, %parallel_loop3A_108 : vector<16xi32>
          tpu.vector_store_idx %arg7[%parallel_loop3A_98], %parallel_loop3A_109 {add = true} : memref<102400xi32, #tpu.memory_space<vmem>>[vector<16xi32>], vector<16xi32>,
        } {sc.loop_unroll_factor = 8 : i64, sc.parallel_access}
      } else {
      }
      %mul3A_60 = arith.constant 32 : i32
      %mul3A_61 = arith.muli %add3A_35, %mul3A_60 : i32
      %add3A_62 = arith.addi %add3A, %mul3A_61 : i32
      %lt3A_63 = arith.constant 625 : i32
      %lt3A_64 = arith.cmpi slt, %add3A_62, %lt3A_63 : i32
      %convert_element_type3A_65 = arith.extui %lt3A_64 : i1 to i32
      %cond3A_66 = arith.constant 0 : i32
      %cond3A_67 = arith.cmpi ne, %convert_element_type3A_65, %cond3A_66 : i32
      scf.if %cond3A_67 {
        %dma_wait3A = arith.constant 0 : i32
        %dma_wait3A_87 = arith.constant 0 : i32
        %dma_wait3A_88 = tpu.memref_slice %arg3[%dma_wait3A, %dma_wait3A_87] : memref<2x3200000xi32, #tpu.memory_space<hbm>> -> memref<2x5120xi32, #tpu.memory_space<hbm>>
        %dma_wait3A_89 = arith.constant 0 : i32
        %dma_wait3A_90 = arith.constant 0 : i32
        %dma_wait3A_91 = tpu.memref_slice %arg3[%dma_wait3A_89, %dma_wait3A_90] : memref<2x3200000xi32, #tpu.memory_space<hbm>> -> memref<2x5120xi32, #tpu.memory_space<hbm>>
        tpu.wait_dma2 semaphore(%arg11 : memref<!tpu.dma_semaphore, #tpu.memory_space<semaphore_mem>>) src(%dma_wait3A_91 : memref<2x5120xi32, #tpu.memory_space<hbm>>) dst(%arg9 : memref<2x5120xi32, #tpu.memory_space<vmem>>)
      } else {
      }
      %add3A_68 = arith.constant 2 : i32
      %add3A_69 = arith.addi %mul3A_31, %add3A_68 : i32
      %mul3A_70 = arith.constant 32 : i32
      %mul3A_71 = arith.muli %add3A_69, %mul3A_70 : i32
      %add3A_72 = arith.addi %add3A, %mul3A_71 : i32
      %lt3A_73 = arith.constant 625 : i32
      %lt3A_74 = arith.cmpi slt, %add3A_72, %lt3A_73 : i32
      %convert_element_type3A_75 = arith.extui %lt3A_74 : i1 to i32
      %cond3A_76 = arith.constant 0 : i32
      %cond3A_77 = arith.cmpi ne, %convert_element_type3A_75, %cond3A_76 : i32
      scf.if %cond3A_77 {
        %mul3A_87 = arith.constant 5120 : i32
        %mul3A_88 = arith.muli %add3A_72, %mul3A_87 : i32
        %dma_start3A = arith.constant 0 : i32
        %dma_start3A_89 = tpu.memref_slice %arg3[%dma_start3A, %mul3A_88] : memref<2x3200000xi32, #tpu.memory_space<hbm>> -> memref<2x5120xi32, #tpu.memory_space<hbm>>
        %dma_start3A_90 = arith.constant 0 : i32
        %dma_start3A_91 = tpu.memref_slice %arg3[%dma_start3A_90, %mul3A_88] : memref<2x3200000xi32, #tpu.memory_space<hbm>> -> memref<2x5120xi32, #tpu.memory_space<hbm>>
        tpu.enqueue_dma source(%dma_start3A_91 : memref<2x5120xi32, #tpu.memory_space<hbm>>) target(%arg8 : memref<2x5120xi32, #tpu.memory_space<vmem>>) target_semaphore(%arg10 : memref<!tpu.dma_semaphore, #tpu.memory_space<semaphore_mem>>)
      } else {
      }
      %mul3A_78 = arith.constant 32 : i32
      %mul3A_79 = arith.muli %add3A_35, %mul3A_78 : i32
      %add3A_80 = arith.addi %add3A, %mul3A_79 : i32
      %lt3A_81 = arith.constant 625 : i32
      %lt3A_82 = arith.cmpi slt, %add3A_80, %lt3A_81 : i32
      %convert_element_type3A_83 = arith.extui %lt3A_82 : i1 to i32
      %cond3A_84 = arith.constant 0 : i32
      %cond3A_85 = arith.cmpi ne, %convert_element_type3A_83, %cond3A_84 : i32
      scf.if %cond3A_85 {
        %parallel_loop3A_87 = arith.constant 0 : i32
        %parallel_loop3A_88 = arith.constant 5120 : i32
        %parallel_loop3A_89 = arith.constant 16 : i32
        scf.for %parallel_loop3A_90 = %parallel_loop3A_87 to %parallel_loop3A_88 step %parallel_loop3A_89  : i32 {
          %parallel_loop3A_91 = arith.constant 1 : i32
          %parallel_loop3A_92 = arith.index_cast %parallel_loop3A_91 : i32 to index
          %parallel_loop3A_93 = arith.index_cast %parallel_loop3A_90 : i32 to index
          %parallel_loop3A_94 = tpu.vector_load %arg9[%parallel_loop3A_92, %parallel_loop3A_93] {strides = array<i32>} : memref<2x5120xi32, #tpu.memory_space<vmem>>, vector<16xi32>,
          %parallel_loop3A_95 = arith.constant 0 : i32
          %parallel_loop3A_96 = arith.index_cast %parallel_loop3A_95 : i32 to index
          %parallel_loop3A_97 = arith.index_cast %parallel_loop3A_90 : i32 to index
          %parallel_loop3A_98 = tpu.vector_load %arg9[%parallel_loop3A_96, %parallel_loop3A_97] {strides = array<i32>} : memref<2x5120xi32, #tpu.memory_space<vmem>>, vector<16xi32>,
          %parallel_loop3A_99 = arith.constant 4095 : i32
          %parallel_loop3A_100 = vector.broadcast %parallel_loop3A_99 : i32 to vector<16xi32>
          %parallel_loop3A_101 = arith.andi %parallel_loop3A_94, %parallel_loop3A_100 : vector<16xi32>
          %parallel_loop3A_102 = tpu.vector_load_idx %arg6[%parallel_loop3A_101] : memref<4096xi32, #tpu.memory_space<vmem>>[vector<16xi32>], vector<16xi32>,
          %parallel_loop3A_103 = arith.constant 12 : i32
          %parallel_loop3A_104 = vector.broadcast %parallel_loop3A_103 : i32 to vector<16xi32>
          %parallel_loop3A_105 = arith.shrui %parallel_loop3A_94, %parallel_loop3A_104 : vector<16xi32>
          %parallel_loop3A_106 = arith.shrui %parallel_loop3A_102, %parallel_loop3A_105 : vector<16xi32>
          %parallel_loop3A_107 = arith.constant 1 : i32
          %parallel_loop3A_108 = vector.broadcast %parallel_loop3A_107 : i32 to vector<16xi32>
          %parallel_loop3A_109 = arith.andi %parallel_loop3A_106, %parallel_loop3A_108 : vector<16xi32>
          tpu.vector_store_idx %arg7[%parallel_loop3A_98], %parallel_loop3A_109 {add = true} : memref<102400xi32, #tpu.memory_space<vmem>>[vector<16xi32>], vector<16xi32>,
        } {sc.loop_unroll_factor = 8 : i64, sc.parallel_access}
      } else {
      }
      %scan3A_86 = arith.constant 0 : i32
      scf.yield %scan3A_86 : i32
    }
    %scan3A_13 = arith.constant 10 : i32
    %add3A_14 = arith.constant 0 : i32
    %add3A_15 = arith.addi %add3A, %add3A_14 : i32
    %lt3A_16 = arith.constant 625 : i32
    %lt3A_17 = arith.cmpi slt, %add3A_15, %lt3A_16 : i32
    %convert_element_type3A_18 = arith.extui %lt3A_17 : i1 to i32
    %cond3A_19 = arith.constant 0 : i32
    %cond3A_20 = arith.cmpi ne, %convert_element_type3A_18, %cond3A_19 : i32
    scf.if %cond3A_20 {
      %mul3A_28 = arith.constant 5120 : i32
      %mul3A_29 = arith.muli %add3A_15, %mul3A_28 : i32
      %dma_start3A = arith.constant 0 : i32
      %dma_start3A_30 = tpu.memref_slice %arg4[%dma_start3A, %mul3A_29] : memref<2x3200000xi32, #tpu.memory_space<hbm>> -> memref<2x5120xi32, #tpu.memory_space<hbm>>
      %dma_start3A_31 = arith.constant 0 : i32
      %dma_start3A_32 = tpu.memref_slice %arg4[%dma_start3A_31, %mul3A_29] : memref<2x3200000xi32, #tpu.memory_space<hbm>> -> memref<2x5120xi32, #tpu.memory_space<hbm>>
      tpu.enqueue_dma source(%dma_start3A_32 : memref<2x5120xi32, #tpu.memory_space<hbm>>) target(%arg8 : memref<2x5120xi32, #tpu.memory_space<vmem>>) target_semaphore(%arg10 : memref<!tpu.dma_semaphore, #tpu.memory_space<semaphore_mem>>)
    } else {
    }
    %scan3A_21 = arith.constant 0 : i32
    %scan3A_22 = arith.constant 0 : i32
    %scan3A_23 = arith.constant 10 : i32
    %scan3A_24 = arith.addi %scan3A_22, %scan3A_23 : i32
    %scan3A_25 = arith.constant 1 : i32
    %scan3A_26 = scf.for %scan3A_28 = %scan3A_22 to %scan3A_24 step %scan3A_25 iter_args(%scan3A_29 = %scan3A_21) -> (i32)  : i32 {
      %mul3A_30 = arith.constant 2 : i32
      %mul3A_31 = arith.muli %mul3A_30, %scan3A_28 : i32
      %mul3A_32 = arith.constant 2 : i32
      %mul3A_33 = arith.muli %mul3A_32, %scan3A_28 : i32
      %add3A_34 = arith.constant 1 : i32
      %add3A_35 = arith.addi %mul3A_33, %add3A_34 : i32
      %mul3A_36 = arith.constant 32 : i32
      %mul3A_37 = arith.muli %mul3A_31, %mul3A_36 : i32
      %add3A_38 = arith.addi %add3A, %mul3A_37 : i32
      %lt3A_39 = arith.constant 625 : i32
      %lt3A_40 = arith.cmpi slt, %add3A_38, %lt3A_39 : i32
      %convert_element_type3A_41 = arith.extui %lt3A_40 : i1 to i32
      %cond3A_42 = arith.constant 0 : i32
      %cond3A_43 = arith.cmpi ne, %convert_element_type3A_41, %cond3A_42 : i32
      scf.if %cond3A_43 {
        %dma_wait3A = arith.constant 0 : i32
        %dma_wait3A_87 = arith.constant 0 : i32
        %dma_wait3A_88 = tpu.memref_slice %arg4[%dma_wait3A, %dma_wait3A_87] : memref<2x3200000xi32, #tpu.memory_space<hbm>> -> memref<2x5120xi32, #tpu.memory_space<hbm>>
        %dma_wait3A_89 = arith.constant 0 : i32
        %dma_wait3A_90 = arith.constant 0 : i32
        %dma_wait3A_91 = tpu.memref_slice %arg4[%dma_wait3A_89, %dma_wait3A_90] : memref<2x3200000xi32, #tpu.memory_space<hbm>> -> memref<2x5120xi32, #tpu.memory_space<hbm>>
        tpu.wait_dma2 semaphore(%arg10 : memref<!tpu.dma_semaphore, #tpu.memory_space<semaphore_mem>>) src(%dma_wait3A_91 : memref<2x5120xi32, #tpu.memory_space<hbm>>) dst(%arg8 : memref<2x5120xi32, #tpu.memory_space<vmem>>)
      } else {
      }
      %mul3A_44 = arith.constant 32 : i32
      %mul3A_45 = arith.muli %add3A_35, %mul3A_44 : i32
      %add3A_46 = arith.addi %add3A, %mul3A_45 : i32
      %lt3A_47 = arith.constant 625 : i32
      %lt3A_48 = arith.cmpi slt, %add3A_46, %lt3A_47 : i32
      %convert_element_type3A_49 = arith.extui %lt3A_48 : i1 to i32
      %cond3A_50 = arith.constant 0 : i32
      %cond3A_51 = arith.cmpi ne, %convert_element_type3A_49, %cond3A_50 : i32
      scf.if %cond3A_51 {
        %mul3A_87 = arith.constant 5120 : i32
        %mul3A_88 = arith.muli %add3A_46, %mul3A_87 : i32
        %dma_start3A = arith.constant 0 : i32
        %dma_start3A_89 = tpu.memref_slice %arg4[%dma_start3A, %mul3A_88] : memref<2x3200000xi32, #tpu.memory_space<hbm>> -> memref<2x5120xi32, #tpu.memory_space<hbm>>
        %dma_start3A_90 = arith.constant 0 : i32
        %dma_start3A_91 = tpu.memref_slice %arg4[%dma_start3A_90, %mul3A_88] : memref<2x3200000xi32, #tpu.memory_space<hbm>> -> memref<2x5120xi32, #tpu.memory_space<hbm>>
        tpu.enqueue_dma source(%dma_start3A_91 : memref<2x5120xi32, #tpu.memory_space<hbm>>) target(%arg9 : memref<2x5120xi32, #tpu.memory_space<vmem>>) target_semaphore(%arg11 : memref<!tpu.dma_semaphore, #tpu.memory_space<semaphore_mem>>)
      } else {
      }
      %mul3A_52 = arith.constant 32 : i32
      %mul3A_53 = arith.muli %mul3A_31, %mul3A_52 : i32
      %add3A_54 = arith.addi %add3A, %mul3A_53 : i32
      %lt3A_55 = arith.constant 625 : i32
      %lt3A_56 = arith.cmpi slt, %add3A_54, %lt3A_55 : i32
      %convert_element_type3A_57 = arith.extui %lt3A_56 : i1 to i32
      %cond3A_58 = arith.constant 0 : i32
      %cond3A_59 = arith.cmpi ne, %convert_element_type3A_57, %cond3A_58 : i32
      scf.if %cond3A_59 {
        %parallel_loop3A_87 = arith.constant 0 : i32
        %parallel_loop3A_88 = arith.constant 5120 : i32
        %parallel_loop3A_89 = arith.constant 16 : i32
        scf.for %parallel_loop3A_90 = %parallel_loop3A_87 to %parallel_loop3A_88 step %parallel_loop3A_89  : i32 {
          %parallel_loop3A_91 = arith.constant 1 : i32
          %parallel_loop3A_92 = arith.index_cast %parallel_loop3A_91 : i32 to index
          %parallel_loop3A_93 = arith.index_cast %parallel_loop3A_90 : i32 to index
          %parallel_loop3A_94 = tpu.vector_load %arg8[%parallel_loop3A_92, %parallel_loop3A_93] {strides = array<i32>} : memref<2x5120xi32, #tpu.memory_space<vmem>>, vector<16xi32>,
          %parallel_loop3A_95 = arith.constant 0 : i32
          %parallel_loop3A_96 = arith.index_cast %parallel_loop3A_95 : i32 to index
          %parallel_loop3A_97 = arith.index_cast %parallel_loop3A_90 : i32 to index
          %parallel_loop3A_98 = tpu.vector_load %arg8[%parallel_loop3A_96, %parallel_loop3A_97] {strides = array<i32>} : memref<2x5120xi32, #tpu.memory_space<vmem>>, vector<16xi32>,
          %parallel_loop3A_99 = arith.constant 4095 : i32
          %parallel_loop3A_100 = vector.broadcast %parallel_loop3A_99 : i32 to vector<16xi32>
          %parallel_loop3A_101 = arith.andi %parallel_loop3A_94, %parallel_loop3A_100 : vector<16xi32>
          %parallel_loop3A_102 = tpu.vector_load_idx %arg6[%parallel_loop3A_101] : memref<4096xi32, #tpu.memory_space<vmem>>[vector<16xi32>], vector<16xi32>,
          %parallel_loop3A_103 = arith.constant 12 : i32
          %parallel_loop3A_104 = vector.broadcast %parallel_loop3A_103 : i32 to vector<16xi32>
          %parallel_loop3A_105 = arith.shrui %parallel_loop3A_94, %parallel_loop3A_104 : vector<16xi32>
          %parallel_loop3A_106 = arith.shrui %parallel_loop3A_102, %parallel_loop3A_105 : vector<16xi32>
          %parallel_loop3A_107 = arith.constant 1 : i32
          %parallel_loop3A_108 = vector.broadcast %parallel_loop3A_107 : i32 to vector<16xi32>
          %parallel_loop3A_109 = arith.andi %parallel_loop3A_106, %parallel_loop3A_108 : vector<16xi32>
          %parallel_loop3A_110 = arith.constant 1 : i32
          %parallel_loop3A_111 = vector.broadcast %parallel_loop3A_110 : i32 to vector<16xi32>
          %parallel_loop3A_112 = arith.subi %parallel_loop3A_111, %parallel_loop3A_109 : vector<16xi32>
          tpu.vector_store_idx %arg7[%parallel_loop3A_98], %parallel_loop3A_112 {add = true} : memref<102400xi32, #tpu.memory_space<vmem>>[vector<16xi32>], vector<16xi32>,
        } {sc.loop_unroll_factor = 8 : i64, sc.parallel_access}
      } else {
      }
      %mul3A_60 = arith.constant 32 : i32
      %mul3A_61 = arith.muli %add3A_35, %mul3A_60 : i32
      %add3A_62 = arith.addi %add3A, %mul3A_61 : i32
      %lt3A_63 = arith.constant 625 : i32
      %lt3A_64 = arith.cmpi slt, %add3A_62, %lt3A_63 : i32
      %convert_element_type3A_65 = arith.extui %lt3A_64 : i1 to i32
      %cond3A_66 = arith.constant 0 : i32
      %cond3A_67 = arith.cmpi ne, %convert_element_type3A_65, %cond3A_66 : i32
      scf.if %cond3A_67 {
        %dma_wait3A = arith.constant 0 : i32
        %dma_wait3A_87 = arith.constant 0 : i32
        %dma_wait3A_88 = tpu.memref_slice %arg4[%dma_wait3A, %dma_wait3A_87] : memref<2x3200000xi32, #tpu.memory_space<hbm>> -> memref<2x5120xi32, #tpu.memory_space<hbm>>
        %dma_wait3A_89 = arith.constant 0 : i32
        %dma_wait3A_90 = arith.constant 0 : i32
        %dma_wait3A_91 = tpu.memref_slice %arg4[%dma_wait3A_89, %dma_wait3A_90] : memref<2x3200000xi32, #tpu.memory_space<hbm>> -> memref<2x5120xi32, #tpu.memory_space<hbm>>
        tpu.wait_dma2 semaphore(%arg11 : memref<!tpu.dma_semaphore, #tpu.memory_space<semaphore_mem>>) src(%dma_wait3A_91 : memref<2x5120xi32, #tpu.memory_space<hbm>>) dst(%arg9 : memref<2x5120xi32, #tpu.memory_space<vmem>>)
      } else {
      }
      %add3A_68 = arith.constant 2 : i32
      %add3A_69 = arith.addi %mul3A_31, %add3A_68 : i32
      %mul3A_70 = arith.constant 32 : i32
      %mul3A_71 = arith.muli %add3A_69, %mul3A_70 : i32
      %add3A_72 = arith.addi %add3A, %mul3A_71 : i32
      %lt3A_73 = arith.constant 625 : i32
      %lt3A_74 = arith.cmpi slt, %add3A_72, %lt3A_73 : i32
      %convert_element_type3A_75 = arith.extui %lt3A_74 : i1 to i32
      %cond3A_76 = arith.constant 0 : i32
      %cond3A_77 = arith.cmpi ne, %convert_element_type3A_75, %cond3A_76 : i32
      scf.if %cond3A_77 {
        %mul3A_87 = arith.constant 5120 : i32
        %mul3A_88 = arith.muli %add3A_72, %mul3A_87 : i32
        %dma_start3A = arith.constant 0 : i32
        %dma_start3A_89 = tpu.memref_slice %arg4[%dma_start3A, %mul3A_88] : memref<2x3200000xi32, #tpu.memory_space<hbm>> -> memref<2x5120xi32, #tpu.memory_space<hbm>>
        %dma_start3A_90 = arith.constant 0 : i32
        %dma_start3A_91 = tpu.memref_slice %arg4[%dma_start3A_90, %mul3A_88] : memref<2x3200000xi32, #tpu.memory_space<hbm>> -> memref<2x5120xi32, #tpu.memory_space<hbm>>
        tpu.enqueue_dma source(%dma_start3A_91 : memref<2x5120xi32, #tpu.memory_space<hbm>>) target(%arg8 : memref<2x5120xi32, #tpu.memory_space<vmem>>) target_semaphore(%arg10 : memref<!tpu.dma_semaphore, #tpu.memory_space<semaphore_mem>>)
      } else {
      }
      %mul3A_78 = arith.constant 32 : i32
      %mul3A_79 = arith.muli %add3A_35, %mul3A_78 : i32
      %add3A_80 = arith.addi %add3A, %mul3A_79 : i32
      %lt3A_81 = arith.constant 625 : i32
      %lt3A_82 = arith.cmpi slt, %add3A_80, %lt3A_81 : i32
      %convert_element_type3A_83 = arith.extui %lt3A_82 : i1 to i32
      %cond3A_84 = arith.constant 0 : i32
      %cond3A_85 = arith.cmpi ne, %convert_element_type3A_83, %cond3A_84 : i32
      scf.if %cond3A_85 {
        %parallel_loop3A_87 = arith.constant 0 : i32
        %parallel_loop3A_88 = arith.constant 5120 : i32
        %parallel_loop3A_89 = arith.constant 16 : i32
        scf.for %parallel_loop3A_90 = %parallel_loop3A_87 to %parallel_loop3A_88 step %parallel_loop3A_89  : i32 {
          %parallel_loop3A_91 = arith.constant 1 : i32
          %parallel_loop3A_92 = arith.index_cast %parallel_loop3A_91 : i32 to index
          %parallel_loop3A_93 = arith.index_cast %parallel_loop3A_90 : i32 to index
          %parallel_loop3A_94 = tpu.vector_load %arg9[%parallel_loop3A_92, %parallel_loop3A_93] {strides = array<i32>} : memref<2x5120xi32, #tpu.memory_space<vmem>>, vector<16xi32>,
          %parallel_loop3A_95 = arith.constant 0 : i32
          %parallel_loop3A_96 = arith.index_cast %parallel_loop3A_95 : i32 to index
          %parallel_loop3A_97 = arith.index_cast %parallel_loop3A_90 : i32 to index
          %parallel_loop3A_98 = tpu.vector_load %arg9[%parallel_loop3A_96, %parallel_loop3A_97] {strides = array<i32>} : memref<2x5120xi32, #tpu.memory_space<vmem>>, vector<16xi32>,
          %parallel_loop3A_99 = arith.constant 4095 : i32
          %parallel_loop3A_100 = vector.broadcast %parallel_loop3A_99 : i32 to vector<16xi32>
          %parallel_loop3A_101 = arith.andi %parallel_loop3A_94, %parallel_loop3A_100 : vector<16xi32>
          %parallel_loop3A_102 = tpu.vector_load_idx %arg6[%parallel_loop3A_101] : memref<4096xi32, #tpu.memory_space<vmem>>[vector<16xi32>], vector<16xi32>,
          %parallel_loop3A_103 = arith.constant 12 : i32
          %parallel_loop3A_104 = vector.broadcast %parallel_loop3A_103 : i32 to vector<16xi32>
          %parallel_loop3A_105 = arith.shrui %parallel_loop3A_94, %parallel_loop3A_104 : vector<16xi32>
          %parallel_loop3A_106 = arith.shrui %parallel_loop3A_102, %parallel_loop3A_105 : vector<16xi32>
          %parallel_loop3A_107 = arith.constant 1 : i32
          %parallel_loop3A_108 = vector.broadcast %parallel_loop3A_107 : i32 to vector<16xi32>
          %parallel_loop3A_109 = arith.andi %parallel_loop3A_106, %parallel_loop3A_108 : vector<16xi32>
          %parallel_loop3A_110 = arith.constant 1 : i32
          %parallel_loop3A_111 = vector.broadcast %parallel_loop3A_110 : i32 to vector<16xi32>
          %parallel_loop3A_112 = arith.subi %parallel_loop3A_111, %parallel_loop3A_109 : vector<16xi32>
          tpu.vector_store_idx %arg7[%parallel_loop3A_98], %parallel_loop3A_112 {add = true} : memref<102400xi32, #tpu.memory_space<vmem>>[vector<16xi32>], vector<16xi32>,
        } {sc.loop_unroll_factor = 8 : i64, sc.parallel_access}
      } else {
      }
      %scan3A_86 = arith.constant 0 : i32
      scf.yield %scan3A_86 : i32
    }
    %scan3A_27 = arith.constant 10 : i32
    "tpu.region"() ({
      %run_scoped3A = tpu.sem_alloc : memref<!tpu.dma_semaphore, #tpu.memory_space<semaphore_mem>>
      %dma_start3A = arith.constant 0 : i32
      %dma_start3A_28 = tpu.memref_slice %arg5[%add3A, %dma_start3A] : memref<32x102400xi32, #tpu.memory_space<hbm>> -> memref<1x102400xi32, #tpu.memory_space<hbm>>
      %dma_start3A_29 = tpu.memref_squeeze %dma_start3A_28 : memref<1x102400xi32, #tpu.memory_space<hbm>> -> memref<102400xi32, #tpu.memory_space<hbm>>
      %dma_start3A_30 = arith.constant 0 : i32
      %dma_start3A_31 = tpu.memref_slice %arg5[%add3A, %dma_start3A_30] : memref<32x102400xi32, #tpu.memory_space<hbm>> -> memref<1x102400xi32, #tpu.memory_space<hbm>>
      %dma_start3A_32 = tpu.memref_squeeze %dma_start3A_31 : memref<1x102400xi32, #tpu.memory_space<hbm>> -> memref<102400xi32, #tpu.memory_space<hbm>>
      tpu.enqueue_dma source(%arg7 : memref<102400xi32, #tpu.memory_space<vmem>>) target(%dma_start3A_32 : memref<102400xi32, #tpu.memory_space<hbm>>) target_semaphore(%run_scoped3A : memref<!tpu.dma_semaphore, #tpu.memory_space<semaphore_mem>>)
      %dma_wait3A = arith.constant 0 : i32
      %dma_wait3A_33 = tpu.memref_slice %arg5[%add3A, %dma_wait3A] : memref<32x102400xi32, #tpu.memory_space<hbm>> -> memref<1x102400xi32, #tpu.memory_space<hbm>>
      %dma_wait3A_34 = tpu.memref_squeeze %dma_wait3A_33 : memref<1x102400xi32, #tpu.memory_space<hbm>> -> memref<102400xi32, #tpu.memory_space<hbm>>
      %dma_wait3A_35 = arith.constant 0 : i32
      %dma_wait3A_36 = tpu.memref_slice %arg5[%add3A, %dma_wait3A_35] : memref<32x102400xi32, #tpu.memory_space<hbm>> -> memref<1x102400xi32, #tpu.memory_space<hbm>>
      %dma_wait3A_37 = tpu.memref_squeeze %dma_wait3A_36 : memref<1x102400xi32, #tpu.memory_space<hbm>> -> memref<102400xi32, #tpu.memory_space<hbm>>
      tpu.wait_dma2 semaphore(%run_scoped3A : memref<!tpu.dma_semaphore, #tpu.memory_space<semaphore_mem>>) src(%arg7 : memref<102400xi32, #tpu.memory_space<vmem>>) dst(%dma_wait3A_37 : memref<102400xi32, #tpu.memory_space<hbm>>)
      tpu.yield
    }) : () -> ()
    return
  }
}

module attributes {stable_mosaic.version = 14 : i64} {
  func.func @_reduce_body(%arg0: i32, %arg1: memref<32x12800xi32, #tpu.memory_space<vmem>>, %arg2: memref<1x1xi32, #tpu.memory_space<smem>>) attributes {dimension_semantics = [#tpu.dimension_semantics<arbitrary>], iteration_bounds = array<i64: 8>, scalar_prefetch = 0 : i64, scratch_operands = 0 : i64, tpu.core_type = #tpu.core_type<tc>, window_params = [{transform_indices = @transform_0, window_bounds = array<i64: 32, 12800>}, {transform_indices = @transform_1, window_bounds = array<i64: 1, 1>}]} {
    %get3A = arith.constant 0 : index
    %get3A_0 = arith.constant 0 : index
    %get3A_1 = vector.load %arg1[%get3A, %get3A_0] : memref<32x12800xi32, #tpu.memory_space<vmem>>, vector<32x12800xi32>
    %reduce_sum3A = arith.constant dense<0> : vector<12800xi32>
    %reduce_sum3A_2 = vector.multi_reduction <add>, %get3A_1, %reduce_sum3A [0] : vector<32x12800xi32> to vector<12800xi32>
    %broadcast_in_dim3A = vector.shape_cast %reduce_sum3A_2 : vector<12800xi32> to vector<1x12800xi32>
    %mul3A = arith.constant 12800 : i32
    %mul3A_3 = arith.muli %arg0, %mul3A : i32
    %iota3A = tpu.iota {dimensions = array<i32: 1>} : vector<1x12800xi32>
    %add3A = vector.broadcast %mul3A_3 : i32 to vector<1x12800xi32>
    %add3A_4 = arith.addi %add3A, %iota3A : vector<1x12800xi32>
    %lt3A = arith.constant 100000 : i32
    %lt3A_5 = vector.broadcast %lt3A : i32 to vector<1x12800xi32>
    %lt3A_6 = arith.cmpi slt, %add3A_4, %lt3A_5 : vector<1x12800xi32>
    %jit3A = arith.constant 2147483647 : i32
    %broadcast_in_dim3A_7 = vector.broadcast %jit3A : i32 to vector<1x12800xi32>
    %select_n3A = arith.select %lt3A_6, %broadcast_in_dim3A, %broadcast_in_dim3A_7 : vector<1x12800xi1>, vector<1x12800xi32>
    %reduce_min3A = vector.shape_cast %select_n3A : vector<1x12800xi32> to vector<1x1x12800xi32>
    %reduce_min3A_8 = arith.constant dense<2147483647> : vector<1xi32>
    %reduce_min3A_9 = vector.multi_reduction <minsi>, %reduce_min3A, %reduce_min3A_8 [1, 2] : vector<1x1x12800xi32> to vector<1xi32>
    %reduce_min3A_10 = vector.shape_cast %reduce_min3A_9 : vector<1xi32> to vector<1x1x1xi32>
    %reduce_min3A_11 = vector.extract %reduce_min3A_10[0, 0, 0] : i32 from vector<1x1x1xi32>
    %eq3A = arith.constant 0 : i32
    %eq3A_12 = arith.cmpi eq, %arg0, %eq3A : i32
    %convert_element_type3A = arith.extui %eq3A_12 : i1 to i32
    %cond3A = arith.constant 0 : i32
    %cond3A_13 = arith.cmpi ne, %convert_element_type3A, %cond3A : i32
    scf.if %cond3A_13 {
      %swap3A = arith.constant 0 : index
      %swap3A_18 = arith.constant 0 : index
      %swap3A_19 = memref.load %arg2[%swap3A, %swap3A_18] : memref<1x1xi32, #tpu.memory_space<smem>>
      memref.store %reduce_min3A_11, %arg2[%swap3A, %swap3A_18] : memref<1x1xi32, #tpu.memory_space<smem>>
    } else {
    }
    %gt3A = arith.constant 0 : i32
    %gt3A_14 = arith.cmpi sgt, %arg0, %gt3A : i32
    %convert_element_type3A_15 = arith.extui %gt3A_14 : i1 to i32
    %cond3A_16 = arith.constant 0 : i32
    %cond3A_17 = arith.cmpi ne, %convert_element_type3A_15, %cond3A_16 : i32
    scf.if %cond3A_17 {
      %get3A_18 = arith.constant 0 : index
      %get3A_19 = arith.constant 0 : index
      %get3A_20 = memref.load %arg2[%get3A_18, %get3A_19] : memref<1x1xi32, #tpu.memory_space<smem>>
      %min3A = arith.minsi %get3A_20, %reduce_min3A_11 : i32
      %swap3A = arith.constant 0 : index
      %swap3A_21 = arith.constant 0 : index
      %swap3A_22 = memref.load %arg2[%swap3A, %swap3A_21] : memref<1x1xi32, #tpu.memory_space<smem>>
      memref.store %min3A, %arg2[%swap3A, %swap3A_21] : memref<1x1xi32, #tpu.memory_space<smem>>
    } else {
    }
    return
  }
  func.func @transform_0(%arg0: i32) -> (i32, i32) {
    %c0_i32 = arith.constant 0 : i32
    %c0_i32_0 = arith.constant 0 : i32
    return %c0_i32, %arg0 : i32, i32
  }
  func.func @transform_1(%arg0: i32) -> (i32, i32) {
    %c0_i32 = arith.constant 0 : i32
    %c0_i32_0 = arith.constant 0 : i32
    %c0_i32_1 = arith.constant 0 : i32
    return %c0_i32, %c0_i32_0 : i32, i32
  }
}

module attributes {stable_mosaic.version = 14 : i64} {
  func.func @_pack_body(%arg0: memref<32x4096xf32, #tpu.memory_space<vmem>>, %arg1: memref<1x4096xi32, #tpu.memory_space<vmem>>) attributes {dimension_semantics = [], scalar_prefetch = 0 : i64, scratch_operands = 0 : i64, tpu.core_type = #tpu.core_type<tc>} {
    %get3A = arith.constant 0 : index
    %get3A_0 = arith.constant 0 : index
    %get3A_1 = vector.load %arg0[%get3A, %get3A_0] : memref<32x4096xf32, #tpu.memory_space<vmem>>, vector<32x4096xf32>
    %ge3A = arith.constant 5.000100e-01 : f32
    %ge3A_2 = vector.broadcast %ge3A : f32 to vector<32x4096xf32>
    %ge3A_3 = arith.cmpf oge, %get3A_1, %ge3A_2 : vector<32x4096xf32>
    %jit3A = arith.constant 1 : i32
    %jit3A_4 = arith.constant 0 : i32
    %broadcast_in_dim3A = vector.broadcast %jit3A : i32 to vector<32x4096xi32>
    %broadcast_in_dim3A_5 = vector.broadcast %jit3A_4 : i32 to vector<32x4096xi32>
    %select_n3A = arith.select %ge3A_3, %broadcast_in_dim3A, %broadcast_in_dim3A_5 : vector<32x4096xi1>, vector<32x4096xi32>
    %iota3A = tpu.iota {dimensions = array<i32: 0>} : vector<32x1xi32>
    %shift_left3A = vector.broadcast %iota3A : vector<32x1xi32> to vector<32x4096xi32>
    %shift_left3A_6 = arith.shli %select_n3A, %shift_left3A : vector<32x4096xi32>
    %reduce_sum3A = arith.constant dense<0> : vector<4096xi32>
    %reduce_sum3A_7 = vector.multi_reduction <add>, %shift_left3A_6, %reduce_sum3A [0] : vector<32x4096xi32> to vector<4096xi32>
    %broadcast_in_dim3A_8 = vector.shape_cast %reduce_sum3A_7 : vector<4096xi32> to vector<1x4096xi32>
    %swap3A = arith.constant 0 : index
    %swap3A_9 = arith.constant 0 : index
    %swap3A_10 = vector.load %arg1[%swap3A, %swap3A_9] : memref<1x4096xi32, #tpu.memory_space<vmem>>, vector<1x4096xi32>
    tpu.vector_store %arg1[%swap3A, %swap3A_9], %broadcast_in_dim3A_8 {strides = array<i32>} : memref<1x4096xi32, #tpu.memory_space<vmem>>, vector<1x4096xi32>,
    return
  }
}

</mosaic_0001>

<sc_bundles>
// kernel: kernel.5.cloned.1.call-start
scs
__scs_entry_jumppad:
0x0: {  	(pc) =	sbr.rel $0x88, $3  }
0x1: {  	(tag) =	ssettag $0x0;
	lr =	simm.s32 $0x1  }
0x2: {  	[smem:$0x3F9E] =	sst lr;
	_ =	strace $0xD0000000  }
0x3: {  	_ = 	snop  }
0x4: {  	_ = 	snop  }
0x5: {  	_ = 	snop  }
0x6: {  	_ = 	snop  }
0x7: {  	_ = 	snop  }
__scs_overlays_trampoline_lowered:
0x8: {  	[smem:$0x3FAD] =	sst s0  }
0x9: {  	[smem:$0x3FAE] =	sst s1  }
0xa: {  	[smem:$0x3FAF] =	sst s2  }
0xb: {  	[smem:$0x3FB0] =	sst s3  }
0xc: {  	[smem:$0x3FB1] =	sst s4  }
0xd: {  	[smem:$0x3FB2] =	sst s5  }
0xe: {  	[smem:$0x3FB3] =	sst s6  }
0xf: {  	[smem:$0x3FB4] =	sst s7  }
0x10: {  	[smem:$0x3FB5] =	sst s8  }
0x11: {  	[smem:$0x3FB6] =	sst s9;
	s0 =	simm.s32 @!p0 $0x0  }
0x12: {  	s1 =	sld [smem:$0x3F9C];
	s0 =	simm.s32 @p0 $0x1  }
0x13: {  	[smem:$0x3FB7] =	sst s0;
	s0 =	simm.s32 @!p1 $0x0  }
0x14: {  	s2 =	sld [smem:$0x3F9B];
	s0 =	simm.s32 @p1 $0x1  }
0x15: {  	[smem:$0x3FB8] =	sst s0;
	s0 =	simm.s32 @!p2 $0x0  }
0x16: {  	s3 =	sld [smem:$0x3FDB];
	s0 =	simm.s32 @p2 $0x1  }
0x17: {  	s4 =	simm.s32 $0x1BF5;
	[smem:$0x3FBA] =	sst s0  }
0x18: {  	s0 =	sld [smem:$0x3F9D];
	_ =	swait.ge [sflag:s4], $0x0  }
0x19: {  	s7 =	sld [smem:$0x3F9E]  }
0x1a: {  	s8 =	sadd.s32 $0xFFFFE003, lr  }
0x1b: {  	s9 =	sadd.s32 $0xFFFFFEF7, lr;
	s5 =	simm.s32 $0xFFFFFFFF;
	p2 =	slt.u32 s8, $0xFFFFF086  }
0x1c: {  	p1 =	slt.u32 s9, $0xF7A;
	s5 =	simm.s32 @!p2 $0x0  }
0x1d: {  	s5 =	simm.s32 @p1 $0x1;
	p0 =	seq.s32 s7, s2  }
0x1e: {  	s7 =	smul.u32 @!p0 $0xF7A, s2;
	p2 =	seq.s32 @!p0 s5, $0x0  }
0x1f: {  	s9 =	smul.u32 $0xF7A, s1;
	s8 =	simm.s32 @!p0 $0x1BF5;
	p2 =	por !p2, p0  }
0x20: {  	[sflag:s8] =	ssyncset.s32 @!p0 $0xFFFFF086;
	s6 =	sadd.s32 @!p0 s3, s7;
	s7 =	simm.s32 @!p0 $0x108  }
0x21: {  	s3 =	sadd.s32 s3, s9;
	s6 =	sadd.s32 @!p0 $0x88, s6;
	s7 =	simm.s32 @p2 $0x1082  }
0x22: {  	[simem:s7], [sflag:s8] =	dma.local @!p0 [hbm:s6], $0xF7A  }
0x23: {  	s9 =	sor.u32 $0xD0000000, s2;
	s6 =	simm.s32 $0x108;
	_ =	swait.ge @!p0 [sflag:s8], $0x0  }
0x24: {  	s3 =	sadd.s32 $0x88, s3;
	s6 =	simm.s32 @!p1 $0x1082;
	[sflag:s4] =	ssyncset.s32 $0xFFFFF086  }
0x25: {  	[simem:s6], [sflag:s4] =	dma.local [hbm:s3], $0xF7A  }
0x26: {  	[smem:$0x3F9E] =	sst s1;
	(tag) =	ssettag s2;
	_ =	strace s9  }
0x27: {  	s1 =	sld [smem:$0x3FAE]  }
0x28: {  	s2 =	sld [smem:$0x3FAF]  }
0x29: {  	s4 =	sld [smem:$0x3FB1]  }
0x2a: {  	p0 =	seq.s32 s5, $0x0;
	s5 =	sld [smem:$0x3FB2]  }
0x2b: {  	s6 =	sld [smem:$0x3FB3]  }
0x2c: {  	s7 =	sld [smem:$0x3FB4]  }
0x2d: {  	s3 =	simm.s32 $0x108;
	s8 =	sld [smem:$0x3FB5]  }
0x2e: {  	s3 =	simm.s32 @!p0 $0x1082;
	s9 =	sld [smem:$0x3FB6]  }
0x2f: {  	lr =	sadd.s32 s0, s3;
	s0 =	sld [smem:$0x3FAD]  }
0x30: {  	s3 =	sld [smem:$0x3FB0]  }
0x31: {  	[smem:$0x3FB9] =	sst s10  }
0x32: {  	s10 =	sld [smem:$0x3FB7];
	_ =	sdelay $0x3  }
0x33: {  	p0 =	seq.s32 s10, $0x1;
	s10 =	sld [smem:$0x3FB9];
	_ =	sdelay $0x3  }
0x34: {  	[smem:$0x3FB9] =	sst s10  }
0x35: {  	s10 =	sld [smem:$0x3FB8];
	_ =	sdelay $0x3  }
0x36: {  	p1 =	seq.s32 s10, $0x1;
	s10 =	sld [smem:$0x3FB9];
	_ =	sdelay $0x3  }
0x37: {  	[smem:$0x3FB9] =	sst s10  }
0x38: {  	s10 =	sld [smem:$0x3FBA]  }
0x39: {  	_ = 	snop;
	(pc) =	sbr.ind lr, $3  }
0x3a: {  	_ = 	snop  }
0x3b: {  	_ = 	snop  }
0x3c: {  	p2 =	seq.s32 s10, $0x1;
	s10 =	sld [smem:$0x3FB9]  }
0x3d: {  	_ =	shalt  }
0x3e: {  	_ =	shalt  }
0x3f: {  	_ =	shalt  }
0x40: {  	_ =	shalt  }
0x41: {  	_ =	shalt  }
0x42: {  	_ =	shalt  }
0x43: {  	_ =	shalt  }
0x44: {  	_ =	shalt  }
0x45: {  	_ =	shalt  }
0x46: {  	_ =	shalt  }
0x47: {  	_ =	shalt  }
0x48: {  	_ =	shalt  }
0x49: {  	_ =	shalt  }
0x4a: {  	_ =	shalt  }
0x4b: {  	_ =	shalt  }
0x4c: {  	_ =	shalt  }
0x4d: {  	_ =	shalt  }
0x4e: {  	_ =	shalt  }
0x4f: {  	_ =	shalt  }
0x50: {  	_ =	shalt  }
0x51: {  	_ =	shalt  }
0x52: {  	_ =	shalt  }
0x53: {  	_ =	shalt  }
0x54: {  	_ =	shalt  }
0x55: {  	_ =	shalt  }
0x56: {  	_ =	shalt  }
0x57: {  	_ =	shalt  }
0x58: {  	_ =	shalt  }
0x59: {  	_ =	shalt  }
0x5a: {  	_ =	shalt  }
0x5b: {  	_ =	shalt  }
0x5c: {  	_ =	shalt  }
0x5d: {  	_ =	shalt  }
0x5e: {  	_ =	shalt  }
0x5f: {  	_ =	shalt  }
0x60: {  	_ =	shalt  }
0x61: {  	_ =	shalt  }
0x62: {  	_ =	shalt  }
0x63: {  	_ =	shalt  }
0x64: {  	_ =	shalt  }
0x65: {  	_ =	shalt  }
0x66: {  	_ =	shalt  }
0x67: {  	_ =	shalt  }
0x68: {  	_ =	shalt  }
0x69: {  	_ =	shalt  }
0x6a: {  	_ =	shalt  }
0x6b: {  	_ =	shalt  }
0x6c: {  	_ =	shalt  }
0x6d: {  	_ =	shalt  }
0x6e: {  	_ =	shalt  }
0x6f: {  	_ =	shalt  }
0x70: {  	_ =	shalt  }
0x71: {  	_ =	shalt  }
0x72: {  	_ =	shalt  }
0x73: {  	_ =	shalt  }
0x74: {  	_ =	shalt  }
0x75: {  	_ =	shalt  }
0x76: {  	_ =	shalt  }
0x77: {  	_ =	shalt  }
0x78: {  	_ =	shalt  }
0x79: {  	_ =	shalt  }
0x7a: {  	_ =	shalt  }
0x7b: {  	_ =	shalt  }
0x7c: {  	_ =	shalt  }
0x7d: {  	_ =	shalt  }
0x7e: {  	_ =	shalt  }
0x7f: {  	_ =	shalt  }
0x80: {  	_ =	shalt  }
0x81: {  	_ =	shalt  }
0x82: {  	_ =	shalt  }
0x83: {  	_ =	shalt  }
0x84: {  	_ =	shalt  }
0x85: {  	_ =	shalt  }
0x86: {  	_ =	shalt  }
0x87: {  	_ =	shalt  }
.Lfunc_end0:
.L_simem_size_0:
called_computation_lowered:
.L_overlay_start_0:
0x88: {  	s2 =	sld [smem:$0x3FD9]  }
0x89: {  	s3 =	sld [smem:$0x3FFE];
	_ =	sdelay $0x1  }
0x8a: {  	s1 =	srdreg.scid  }
0x8b: {  	s0 =	sand.u32 $0x1, s1  }
0x8c: {  	s17 =	sshll.u32 s0, $0xA;
	s2 =	sadd.s32 s3, s2  }
0x8d: {  	s2 =	sadd.s32 s2, s17  }
0x8e: {  	[smem:$0x3FC5] =	sst s2  }
0x8f: {  	_ = 	snop  }
0x90: {  	s2 =	sld [smem:$0x3FC8]  }
0x91: {  	s18 =	sld [smem:$0x3FC7];
	(tm) =	ssettm $0x1  }
0x92: {  	s4 =	sld [smem:$0x3FFB];
	_ =	sdelay $0x3  }
0x93: {  	_ =	strace s4  }
0x94: {  	s4 =	sld [smem:$0x3FFC];
	_ =	sdelay $0x3  }
0x95: {  	_ =	strace s4  }
0x96: {  	s4 =	sld [smem:$0x3FFD];
	_ =	sdelay $0x3  }
0x97: {  	_ =	strace s4  }
0x98: {  	_ =	strace $0x8FFFFFFF  }
0x99: {  	s19 =	sld [smem:$0x3FDB];
	_ =	sdelay $0x1  }
0x9a: {  	s5 =	simm.s32 $_scs_section_size  }
0x9b: {  	s6 =	simm.s32 $_size__tile_overlayer_lowered;
	s7 =	simm.s32 $_tile_overlayer_lowered  }
0x9c: {  	s22 =	simm.s32 $0x1BFF;
	s21 =	sshll.u32 s7, $0x1;
	s4 =	sadd.s32 s5, s19  }
0x9d: {  	s8 =	simm.s32 $0x0;
	s20 =	sshll.u32 s6, $0x1;
	s6 =	sadd.s32 s21, s4  }
0x9e: {  	[timem:s8], [sflag:s22] =	dma.local [hbm:s6], s20  }
0x9f: {  	_ =	swait.ge [sflag:s22], s20  }
0xa0: {  	s5 =	ssub.s32 $0x0, s20;
	[sflag:s22] =	ssyncset.done $0x0  }
0xa1: {  	[sflag:s22] =	ssyncadd.s32 s5;
	_ =	sdelay $0x1  }
0xa2: {  	s23 =	simm.s32 $0x1B8B  }
0xa3: {  	_ =	swait.ge [sflag:s23], $0x1  }
0xa4: {  	[sflag:s23] =	ssyncset.done $0x0  }
0xa5: {  	s25 =	simm.s32 $0x1B8E;
	s24 =	sld [smem:$0x3FFE];
	[sflag:s23] =	ssyncadd.s32 $0xFFFFFFFF  }
0xa6: {  	s26 =	simm.s32 $execute0_lowered;
	[smem:$0x3FD2] =	sst s25  }
0xa7: {  	s6 =	sshll.u32 s26, $0x1;
	_ =	strace $0x80000046;
	[dreg:$0x1] =	wrdreg $0xFFFFFFFF  }
0xa8: {  	s28 =	simm.s32 $_size_execute0_lowered;
	s4 =	sadd.s32 s4, s6;
	[dreg:$0x0] =	wrdreg $0x0  }
0xa9: {  	s6 =	sshll.u32 s28, $0x1;
	[dreg:$0x2] =	wrdreg s4  }
0xaa: {  	[dreg:$0x3] =	wrdreg s6  }
0xab: {  	[dreg:$0x4] =	wrdreg $0xC0  }
0xac: {  	_ =	task [dreg:s8], $0x5FFFF  }
0xad: {  	[dreg:$0x1] =	wrdreg $0xFFFFFFFF  }
0xae: {  	[dreg:$0x0] =	wrdreg $0x60  }
0xaf: {  	[dreg:$0x2] =	wrdreg s24  }
0xb0: {  	[dreg:$0x3] =	wrdreg s2  }
0xb1: {  	[dreg:$0x4] =	wrdreg s18  }
0xb2: {  	[dreg:$0x5] =	wrdreg $0x9  }
0xb3: {  	_ =	task.clear_ibuf [dreg:s8], $0x6FFFF;
	_ =	strace $0x90000046  }
0xb4: {  	s29 =	simm.s32 $0x9;
	_ =	strace $0x80000048  }
0xb5: {  	_ =	swait.ge [sflag:s29], $0x1  }
0xb6: {  	[sflag:s29] =	ssyncadd.s32 $0xFFFFFFFF  }
0xb7: {  	_ =	strace $0x90000048  }
0xb8: {  	_ =	sfence  }
0xb9: {  	s30 =	sld [smem:$0x0];
	_ =	sdelay $0x2  }
0xba: {  	s31 =	sshll.u32 s1, $0xD;
	s1 =	sshrl.u32 s1, $0x2  }
0xbb: {  	s3 =	sand.u32 $0x4000, s31;
	s1 =	sadd.s32 s1, s30  }
0xbc: {  	s0 =	sor.u32 s3, s0;
	s1 =	sshll.u32 s1, $0x11  }
0xbd: {  	s0 =	sor.u32 s1, s0  }
0xbe: {  	s0 =	sadd.s32 $0x8F2B, s0  }
0xbf: {  	[sflag:s0] =	ssyncadd.remote.s32 $0x1  }
0xc0: {  	_ =	sfence.sel $0xFFFF  }
0xc1: {  	[dreg:$0x0] =	wrdreg $0xFFFFFFFF;
	(pc) =	sbr.abs _section_cstart, $3  }
0xc2: {  	[dreg:$0x1] =	wrdreg $0xFFFFFFFF  }
0xc3: {  	_ =	task.clear_ibuf [dreg:s8], $0x2FFFF;
	_ =	strace $0x9FFFFFFF  }
0xc4: {  	(tm) =	ssettm $0x7FFFFFFF  }
0xc5: {  	_ =	shalt  }
tec
execute0_lowered:
.L_overlay_start_1:
0x0: {  	(tag) =	ssettag $0x1  }
0x1: {  	s6 =	rddreg [dreg:$0x0]  }
0x2: {  	s2 =	rddreg [dreg:$0x1]  }
0x3: {  	s3 =	rddreg [dreg:$0x2]  }
0x4: {  	s4 =	srdreg.scid;
	s1 =	stileid.u32  }
0x5: {  	s0 =	rddreg [dreg:$0x3];
	s13 =	simm.s32 $0x3;
	s14 =	simm.s32 $0x1  }
0x6: {  	s15 =	simm.s32 $0x1000;
	s16 =	simm.s32 $0x80;
	s17 =	simm.s32 $0x400  }
0x7: {  	s18 =	simm.s32 $0x0;
	s5 =	sand.u32 $0x1, s4;
	s7 =	sshll.u32 s1, $0x1  }
0x8: {  	s4 =	simm.s32 $0x0;
	s30 =	sshrl.u32 s1, $0x2;
	s11 =	sor.u32 s5, s7  }
0x9: {  	[smem:$0x7FF] =	sst s4;
	s7 =	smul.u32 $0xC8000, s30;
	s31 =	ssub.s32 $0x2, s5  }
0xa: {  	s5 =	sadd.s32 $0x800, s6;
	s8 =	sshll.u32 s11, $0x7;
	s9 =	smul.u32 $0x500, s11  }
.Ltmp0:
0xb: {  	s10 =	sshrl.u32 s31, $0x1;
	s8 =	sand.u32 $0x380, s8;
	(pc) =	sbr.rel .LBB2_1-.Ltmp0, $4  }
0xc: {  	_ =	strace $0x80000047;
	s10 =	ssub.s32 s31, s10;
	s7 =	sor.u32 s7, s8  }
0xd: {  	s8 =	sadd.s32 s3, s9;
	s10 =	smax.u32 s10, $0x1;
	s7 =	sshrl.u32 s7, $0x3  }
0xe: {  	s12 =	sadd.s32 s7, s6;
	s6 =	sadd.s32 s2, s9;
	s7 =	sor.u32 $0x40, s11  }
0xf: {  	v0 =	vimm.s32 $0x0;
	s11 =	sor.u32 $0x20, s11;
	s9 =	sadd.s32 $0xA00, s12;
	s12 =	simm.s32 $0x1A000  }
.LBB2_19:
0x10: {  	s18 =	sadd.s32 $0x1, s18  }
0x11: {  	p0 =	sne.s32 s18, s10  }
.Ltmp1:
0x12: {  	_ = 	snop;
	(pc) =	sbr.rel @!p0 .LBB2_20-.Ltmp1, $4  }
0x13: {  	[hbm4b:s9+s16] =	stream.strided.scatter [tilespmem:s15], [sflag:$0x3], $0x19000, s17, s16, $0x38;
	[tilespmem:$0x1F000] =	vst v63  }
0x14: {  	_ =	swait.ge [sflag:s13], $0x19000  }
0x15: {  	[sflag:s13] =	ssyncset.done $0x0  }
0x16: {  	[sflag:s13] =	ssyncadd.s32 $0xFFFE7000  }
.LBB2_1:
0x17: {  	[tilespmem:s12], [sflag:$0x1] =	stream.linear.gather [hbm4b:s6+s4], $0x2800, $0x38;
	[tilespmem:$0x1F000] =	vst v63  }
0x18: {  	_ = 	snop  }
0x19: {  	[tilespmem:s4], [sflag:$0x3] =	stream.linear.gather [hbm4b:s5+s4], $0x1000, $0x38;
	[tilespmem:$0x1F000] =	vst v63  }
0x1a: {  	_ =	swait.ge [sflag:s13], $0x1000  }
0x1b: {  	[sflag:s13] =	ssyncset.done $0x0  }
0x1c: {  	s19 =	simm.s32 $0x1040;
	[sflag:s13] =	ssyncadd.s32 $0xFFFFF000  }
0x1d: {  	[tilespmem:s19+$0xFFFFFFC0] =	vst v0  }
0x1e: {  	[tilespmem:s19+$0x30] =	vst v0  }
0x1f: {  	[tilespmem:s19+$0x20] =	vst v0  }
0x20: {  	[tilespmem:s19+$0x10] =	vst v0  }
0x21: {  	[tilespmem:s19+$0x0] =	vst v0  }
0x22: {  	[tilespmem:s19+$0xFFFFFFF0] =	vst v0  }
0x23: {  	s20 =	simm.s32 $0x0;
	[tilespmem:s19+$0xFFFFFFE0] =	vst v0  }
.LBB2_2:
0x24: {  	s20 =	sadd.s32 $0x80, s20;
	[tilespmem:s19+$0xFFFFFFD0] =	vst v0;
	s19 =	sadd.s32 $0x80, s19  }
0x25: {  	[tilespmem:s19+$0xFFFFFFC0] =	vst v0;
	p0 =	slt.u32 s20, $0x18F80  }
0x26: {  	[tilespmem:s19+$0x30] =	vst v0  }
.Ltmp2:
0x27: {  	[tilespmem:s19+$0x20] =	vst v0;
	(pc) =	sbr.rel @p0 .LBB2_2-.Ltmp2, $4  }
0x28: {  	[tilespmem:s19+$0x10] =	vst v0  }
0x29: {  	[tilespmem:s19+$0x0] =	vst v0  }
0x2a: {  	[tilespmem:s19+$0xFFFFFFF0] =	vst v0  }
0x2b: {  	[tilespmem:s19+$0xFFFFFFE0] =	vst v0  }
.Ltmp3:
0x2c: {  	(pc) =	sbr.rel .LBB2_4-.Ltmp3, $2  }
0x2d: {  	_ =	sdelay $0x2  }
0x2e: {  	[tilespmem:s19+$0xFFFFFFD0] =	vst v0;
	s19 =	simm.s32 $0x0  }
.LBB2_10:
0x2f: {  	s19 =	sadd.s32 $0x1, s19  }
0x30: {  	p0 =	sne.s32 s19, $0xA  }
.Ltmp4:
0x31: {  	_ = 	snop;
	(pc) =	sbr.rel @!p0 .LBB2_11-.Ltmp4, $1  }
0x32: {  	_ =	sdelay $0x3  }
.LBB2_4:
0x33: {  	s20 =	sshll.u32 s19, $0x6  }
0x34: {  	s21 =	sor.u32 s11, s20  }
0x35: {  	_ =	swait.ge [sflag:s14], $0x2800;
	p0 =	sgt.u32 s21, $0x270  }
0x36: {  	[sflag:s14] =	ssyncset.done $0x0;
	s21 =	smul.u32 @!p0 $0x500, s21  }
0x37: {  	s31 =	simm.s32 $0x1A080;
	[sflag:s14] =	ssyncadd.s32 $0xFFFFD800  }
0x38: {  	s22 =	simm.s32 @!p0 $0x0;
	s23 =	simm.s32 @!p0 $0x1C800;
	s21 =	sadd.s32 @!p0 s2, s21  }
0x39: {  	[tilespmem:s23], [sflag:$0x2] =	stream.linear.gather @!p0 [hbm4b:s21+s22], $0x2800, $0x38;
	[tilespmem:$0x1F000] =	vst v63  }
0x3a: {  	v1 =	vld [tilespmem:s31+$0x70]  }
0x3b: {  	v2 =	vld [tilespmem:s31+$0x10]  }
0x3c: {  	v3 =	vld [tilespmem:s31+$0x20]  }
0x3d: {  	v4 =	vld [tilespmem:s31+$0x30]  }
0x3e: {  	v5 =	vld [tilespmem:s31+$0x40]  }
0x3f: {  	v6 =	vld [tilespmem:s31+$0x50]  }
0x40: {  	v9 =	vld [tilespmem:s31+$0x0]  }
0x41: {  	v10 =	vld [tilespmem:s31+$0x60];
	v7 =	vand.u32 $0xFFF, v1  }
0x42: {  	v12 =	vld [tilespmem:s31+$0xFFFFFF80]  }
0x43: {  	v15 =	vld [tilespmem:s31+$0xFFFFFFF0]  }
0x44: {  	v60 =	vld [tilespmem:s31+$0xFFFFFF90]  }
0x45: {  	v61 =	vld [tilespmem:s31+$0xFFFFFFA0];
	v17 =	vand.u32 $0xFFF, v9  }
0x46: {  	v8 =	vand.u32 $0xFFF, v2;
	v7 =	vld.idx.msk [tilespmem:v7+s4+$0x0], $0xffff  }
0x47: {  	v18 =	vld [tilespmem:s31+$0xFFFFFFB0];
	v11 =	vand.u32 $0xFFF, v3  }
0x48: {  	v19 =	vld [tilespmem:s31+$0xFFFFFFC0]  }
0x49: {  	v20 =	vld [tilespmem:s31+$0xFFFFFFD0];
	v13 =	vand.u32 $0xFFF, v4  }
0x4a: {  	v14 =	vand.u32 $0xFFF, v5;
	v1 =	vshrl.u32 v1, $0xC;
	v59 =	vld.idx.msk [tilespmem:v17+s4+$0x0], $0xffff  }
0x4b: {  	v16 =	vand.u32 $0xFFF, v6;
	v8 =	vld.idx.msk [tilespmem:v8+s4+$0x0], $0xffff;
	v1 =	vshrl.u32 v7, v1  }
0x4c: {  	v11 =	vld.idx.msk [tilespmem:v11+s4+$0x0], $0xffff;
	v1 =	vand.u32 $0x1, v1  }
0x4d: {  	[tilespmem:v15+s15+$0x0] =	vst.idx.add.s32.msk $0xffff, v1;
	v1 =	vand.u32 $0xFFF, v10  }
0x4e: {  	v9 =	vshrl.u32 v9, $0xC;
	v13 =	vld.idx.msk [tilespmem:v13+s4+$0x0], $0xffff  }
0x4f: {  	v14 =	vld.idx.msk [tilespmem:v14+s4+$0x0], $0xffff;
	v7 =	vshrl.u32 v59, v9  }
0x50: {  	v2 =	vshrl.u32 v2, $0xC;
	v16 =	vld.idx.msk [tilespmem:v16+s4+$0x0], $0xffff;
	v7 =	vand.u32 $0x1, v7  }
0x51: {  	v3 =	vshrl.u32 v3, $0xC;
	v2 =	vshrl.u32 v8, v2;
	[tilespmem:v12+s15+$0x0] =	vst.idx.add.s32.msk $0xffff, v7  }
0x52: {  	v4 =	vshrl.u32 v4, $0xC;
	v3 =	vshrl.u32 v11, v3;
	v2 =	vand.u32 $0x1, v2;
	v62 =	vld.idx.msk [tilespmem:v1+s4+$0x0], $0xffff  }
0x53: {  	v5 =	vshrl.u32 v5, $0xC;
	v4 =	vshrl.u32 v13, v4;
	v3 =	vand.u32 $0x1, v3;
	[tilespmem:v60+s15+$0x0] =	vst.idx.add.s32.msk $0xffff, v2  }
0x54: {  	v5 =	vshrl.u32 v14, v5;
	v4 =	vand.u32 $0x1, v4;
	v2 =	vshrl.u32 v6, $0xC;
	[tilespmem:v61+s15+$0x0] =	vst.idx.add.s32.msk $0xffff, v3  }
0x55: {  	v5 =	vand.u32 $0x1, v5;
	[tilespmem:v18+s15+$0x0] =	vst.idx.add.s32.msk $0xffff, v4;
	v2 =	vshrl.u32 v16, v2  }
0x56: {  	v3 =	vshrl.u32 v10, $0xC;
	[tilespmem:v19+s15+$0x0] =	vst.idx.add.s32.msk $0xffff, v5;
	v63 =	vand.u32 $0x1, v2  }
0x57: {  	[tilespmem:v20+s15+$0x0] =	vst.idx.add.s32.msk $0xffff, v63;
	v2 =	vshrl.u32 v62, v3  }
0x58: {  	s21 =	simm.s32 $0x0;
	s22 =	simm.s32 $0x1A180;
	v1 =	vld [tilespmem:s31+$0xFFFFFFE0];
	v2 =	vand.u32 $0x1, v2  }
.LBB2_5:
0x59: {  	v3 =	vld [tilespmem:s22+$0x70];
	s21 =	sadd.s32 $0x80, s21  }
0x5a: {  	v4 =	vld [tilespmem:s22+$0x10];
	p1 =	slt.u32 s21, $0x1380  }
0x5b: {  	v5 =	vld [tilespmem:s22+$0x20]  }
0x5c: {  	v6 =	vld [tilespmem:s22+$0x30]  }
0x5d: {  	v7 =	vld [tilespmem:s22+$0x40]  }
0x5e: {  	v8 =	vld [tilespmem:s22+$0x50];
	v9 =	vand.u32 $0xFFF, v3  }
0x5f: {  	v10 =	vand.u32 $0xFFF, v4;
	v4 =	vshrl.u32 v4, $0xC;
	v11 =	vld [tilespmem:s22+$0x60]  }
0x60: {  	v12 =	vld [tilespmem:s22+$0x0];
	v13 =	vand.u32 $0xFFF, v5;
	v5 =	vshrl.u32 v5, $0xC  }
0x61: {  	v14 =	vld [tilespmem:s22+$0xFFFFFF80];
	v15 =	vand.u32 $0xFFF, v6;
	v6 =	vshrl.u32 v6, $0xC  }
0x62: {  	v16 =	vand.u32 $0xFFF, v7;
	v7 =	vshrl.u32 v7, $0xC;
	v17 =	vld [tilespmem:s22+$0xFFFFFFF0]  }
0x63: {  	v18 =	vand.u32 $0xFFF, v8;
	v8 =	vshrl.u32 v8, $0xC;
	v9 =	vld.idx.msk [tilespmem:v9+s4+$0x0], $0xffff  }
0x64: {  	v10 =	vld.idx.msk [tilespmem:v10+s4+$0x0], $0xffff;
	v19 =	vand.u32 $0xFFF, v11;
	v11 =	vshrl.u32 v11, $0xC  }
0x65: {  	v20 =	vand.u32 $0xFFF, v12;
	v12 =	vshrl.u32 v12, $0xC;
	v13 =	vld.idx.msk [tilespmem:v13+s4+$0x0], $0xffff  }
0x66: {  	v15 =	vld.idx.msk [tilespmem:v15+s4+$0x0], $0xffff  }
0x67: {  	v16 =	vld.idx.msk [tilespmem:v16+s4+$0x0], $0xffff  }
0x68: {  	v3 =	vshrl.u32 v3, $0xC;
	v18 =	vld.idx.msk [tilespmem:v18+s4+$0x0], $0xffff  }
0x69: {  	v3 =	vshrl.u32 v9, v3;
	v19 =	vld.idx.msk [tilespmem:v19+s4+$0x0], $0xffff  }
0x6a: {  	v4 =	vshrl.u32 v10, v4;
	v3 =	vand.u32 $0x1, v3;
	v9 =	vld.idx.msk [tilespmem:v20+s4+$0x0], $0xffff  }
0x6b: {  	v4 =	vand.u32 $0x1, v4;
	v5 =	vshrl.u32 v13, v5;
	[tilespmem:v17+s15+$0x0] =	vst.idx.add.s32.msk $0xffff, v3  }
0x6c: {  	v5 =	vand.u32 $0x1, v5;
	v6 =	vshrl.u32 v15, v6;
	v3 =	vld [tilespmem:s22+$0xFFFFFF90]  }
0x6d: {  	v6 =	vand.u32 $0x1, v6;
	v7 =	vshrl.u32 v16, v7;
	v10 =	vld [tilespmem:s22+$0xFFFFFFA0]  }
0x6e: {  	v7 =	vand.u32 $0x1, v7;
	v8 =	vshrl.u32 v18, v8;
	v13 =	vld [tilespmem:s22+$0xFFFFFFB0]  }
0x6f: {  	v8 =	vand.u32 $0x1, v8;
	v11 =	vshrl.u32 v19, v11;
	v15 =	vld [tilespmem:s22+$0xFFFFFFC0]  }
0x70: {  	v9 =	vshrl.u32 v9, v12;
	v11 =	vand.u32 $0x1, v11;
	v12 =	vld [tilespmem:s22+$0xFFFFFFD0]  }
0x71: {  	v9 =	vand.u32 $0x1, v9;
	v16 =	vld [tilespmem:s22+$0xFFFFFFE0]  }
0x72: {  	[tilespmem:v14+s15+$0x0] =	vst.idx.add.s32.msk $0xffff, v9  }
0x73: {  	[tilespmem:v1+s15+$0x0] =	vst.idx.add.s32.msk $0xffff, v2;
	v2 =	vmov v11  }
.Ltmp5:
0x74: {  	[tilespmem:v3+s15+$0x0] =	vst.idx.add.s32.msk $0xffff, v4;
	(pc) =	sbr.rel @p1 .LBB2_5-.Ltmp5, $4  }
0x75: {  	[tilespmem:v10+s15+$0x0] =	vst.idx.add.s32.msk $0xffff, v5  }
0x76: {  	[tilespmem:v13+s15+$0x0] =	vst.idx.add.s32.msk $0xffff, v6;
	v1 =	vmov v16  }
0x77: {  	[tilespmem:v15+s15+$0x0] =	vst.idx.add.s32.msk $0xffff, v7  }
0x78: {  	s22 =	sadd.s32 $0x100, s22;
	[tilespmem:v12+s15+$0x0] =	vst.idx.add.s32.msk $0xffff, v8  }
0x79: {  	_ =	sdelay $0x2  }
0x7a: {  	s20 =	sadd.s32 s7, s20  }
.Ltmp6:
0x7b: {  	[tilespmem:v1+s15+$0x0] =	vst.idx.add.s32.msk $0xffff, v2;
	s21 =	simm.s32 @!p0 $0x2;
	p1 =	sgt.u32 s20, $0x270;
	(pc) =	sbr.rel @p0 .LBB2_10-.Ltmp6, $4  }
0x7c: {  	_ =	swait.ge @!p0 [sflag:s21], $0x2800;
	s20 =	smul.u32 @!p1 $0x500, s20  }
0x7d: {  	[sflag:s21] =	ssyncset.done @!p0 $0x0;
	s22 =	simm.s32 @!p1 $0x1A000  }
0x7e: {  	[sflag:s21] =	ssyncadd.s32 @!p0 $0xFFFFD800;
	s21 =	simm.s32 @!p1 $0x0;
	s20 =	sadd.s32 @!p1 s2, s20  }
0x7f: {  	[tilespmem:s22], [sflag:$0x1] =	stream.linear.gather @!p1 [hbm4b:s20+s21], $0x2800, $0x38;
	[tilespmem:$0x1F000] =	vst v63  }
0x80: {  	s20 =	simm.s32 $0x1C880  }
0x81: {  	v1 =	vld [tilespmem:s20+$0x70]  }
0x82: {  	v2 =	vld [tilespmem:s20+$0x10]  }
0x83: {  	v3 =	vld [tilespmem:s20+$0x20]  }
0x84: {  	v4 =	vld [tilespmem:s20+$0x30]  }
0x85: {  	v5 =	vld [tilespmem:s20+$0x40]  }
0x86: {  	v6 =	vld [tilespmem:s20+$0x50]  }
0x87: {  	v9 =	vld [tilespmem:s20+$0x0]  }
0x88: {  	v10 =	vld [tilespmem:s20+$0x60];
	v7 =	vand.u32 $0xFFF, v1  }
0x89: {  	v12 =	vld [tilespmem:s20+$0xFFFFFF80]  }
0x8a: {  	v15 =	vld [tilespmem:s20+$0xFFFFFFF0]  }
0x8b: {  	v60 =	vld [tilespmem:s20+$0xFFFFFF90]  }
0x8c: {  	v61 =	vld [tilespmem:s20+$0xFFFFFFA0];
	v17 =	vand.u32 $0xFFF, v9  }
0x8d: {  	v8 =	vand.u32 $0xFFF, v2;
	v7 =	vld.idx.msk [tilespmem:v7+s4+$0x0], $0xffff  }
0x8e: {  	v18 =	vld [tilespmem:s20+$0xFFFFFFB0];
	v11 =	vand.u32 $0xFFF, v3  }
0x8f: {  	v19 =	vld [tilespmem:s20+$0xFFFFFFC0]  }
0x90: {  	v20 =	vld [tilespmem:s20+$0xFFFFFFD0];
	v13 =	vand.u32 $0xFFF, v4  }
0x91: {  	v14 =	vand.u32 $0xFFF, v5;
	v1 =	vshrl.u32 v1, $0xC;
	v59 =	vld.idx.msk [tilespmem:v17+s4+$0x0], $0xffff  }
0x92: {  	v16 =	vand.u32 $0xFFF, v6;
	v8 =	vld.idx.msk [tilespmem:v8+s4+$0x0], $0xffff;
	v1 =	vshrl.u32 v7, v1  }
0x93: {  	v11 =	vld.idx.msk [tilespmem:v11+s4+$0x0], $0xffff;
	v1 =	vand.u32 $0x1, v1  }
0x94: {  	[tilespmem:v15+s15+$0x0] =	vst.idx.add.s32.msk $0xffff, v1;
	v1 =	vand.u32 $0xFFF, v10  }
0x95: {  	v9 =	vshrl.u32 v9, $0xC;
	v13 =	vld.idx.msk [tilespmem:v13+s4+$0x0], $0xffff  }
0x96: {  	v14 =	vld.idx.msk [tilespmem:v14+s4+$0x0], $0xffff;
	v7 =	vshrl.u32 v59, v9  }
0x97: {  	v2 =	vshrl.u32 v2, $0xC;
	v16 =	vld.idx.msk [tilespmem:v16+s4+$0x0], $0xffff;
	v7 =	vand.u32 $0x1, v7  }
0x98: {  	v3 =	vshrl.u32 v3, $0xC;
	v2 =	vshrl.u32 v8, v2;
	[tilespmem:v12+s15+$0x0] =	vst.idx.add.s32.msk $0xffff, v7  }
0x99: {  	v4 =	vshrl.u32 v4, $0xC;
	v3 =	vshrl.u32 v11, v3;
	v2 =	vand.u32 $0x1, v2;
	v62 =	vld.idx.msk [tilespmem:v1+s4+$0x0], $0xffff  }
0x9a: {  	v5 =	vshrl.u32 v5, $0xC;
	v4 =	vshrl.u32 v13, v4;
	v3 =	vand.u32 $0x1, v3;
	[tilespmem:v60+s15+$0x0] =	vst.idx.add.s32.msk $0xffff, v2  }
0x9b: {  	v5 =	vshrl.u32 v14, v5;
	v4 =	vand.u32 $0x1, v4;
	v2 =	vshrl.u32 v6, $0xC;
	[tilespmem:v61+s15+$0x0] =	vst.idx.add.s32.msk $0xffff, v3  }
0x9c: {  	v5 =	vand.u32 $0x1, v5;
	[tilespmem:v18+s15+$0x0] =	vst.idx.add.s32.msk $0xffff, v4;
	v2 =	vshrl.u32 v16, v2  }
0x9d: {  	v3 =	vshrl.u32 v10, $0xC;
	[tilespmem:v19+s15+$0x0] =	vst.idx.add.s32.msk $0xffff, v5;
	v63 =	vand.u32 $0x1, v2  }
0x9e: {  	[tilespmem:v20+s15+$0x0] =	vst.idx.add.s32.msk $0xffff, v63;
	v2 =	vshrl.u32 v62, v3  }
0x9f: {  	s21 =	simm.s32 $0x1C980;
	v1 =	vld [tilespmem:s20+$0xFFFFFFE0];
	s20 =	simm.s32 $0x0;
	v2 =	vand.u32 $0x1, v2  }
.LBB2_8:
0xa0: {  	v3 =	vld [tilespmem:s21+$0x70];
	s20 =	sadd.s32 $0x80, s20  }
0xa1: {  	v4 =	vld [tilespmem:s21+$0x10];
	p0 =	slt.u32 s20, $0x1380  }
0xa2: {  	v5 =	vld [tilespmem:s21+$0x20]  }
0xa3: {  	v6 =	vld [tilespmem:s21+$0x30]  }
0xa4: {  	v7 =	vld [tilespmem:s21+$0x40]  }
0xa5: {  	v8 =	vld [tilespmem:s21+$0x50];
	v9 =	vand.u32 $0xFFF, v3  }
0xa6: {  	v10 =	vand.u32 $0xFFF, v4;
	v4 =	vshrl.u32 v4, $0xC;
	v11 =	vld [tilespmem:s21+$0x60]  }
0xa7: {  	v12 =	vld [tilespmem:s21+$0x0];
	v13 =	vand.u32 $0xFFF, v5;
	v5 =	vshrl.u32 v5, $0xC  }
0xa8: {  	v14 =	vld [tilespmem:s21+$0xFFFFFF80];
	v15 =	vand.u32 $0xFFF, v6;
	v6 =	vshrl.u32 v6, $0xC  }
0xa9: {  	v16 =	vand.u32 $0xFFF, v7;
	v7 =	vshrl.u32 v7, $0xC;
	v17 =	vld [tilespmem:s21+$0xFFFFFFF0]  }
0xaa: {  	v18 =	vand.u32 $0xFFF, v8;
	v8 =	vshrl.u32 v8, $0xC;
	v9 =	vld.idx.msk [tilespmem:v9+s4+$0x0], $0xffff  }
0xab: {  	v10 =	vld.idx.msk [tilespmem:v10+s4+$0x0], $0xffff;
	v19 =	vand.u32 $0xFFF, v11;
	v11 =	vshrl.u32 v11, $0xC  }
0xac: {  	v20 =	vand.u32 $0xFFF, v12;
	v12 =	vshrl.u32 v12, $0xC;
	v13 =	vld.idx.msk [tilespmem:v13+s4+$0x0], $0xffff  }
0xad: {  	v15 =	vld.idx.msk [tilespmem:v15+s4+$0x0], $0xffff  }
0xae: {  	v16 =	vld.idx.msk [tilespmem:v16+s4+$0x0], $0xffff  }
0xaf: {  	v3 =	vshrl.u32 v3, $0xC;
	v18 =	vld.idx.msk [tilespmem:v18+s4+$0x0], $0xffff  }
0xb0: {  	v3 =	vshrl.u32 v9, v3;
	v19 =	vld.idx.msk [tilespmem:v19+s4+$0x0], $0xffff  }
0xb1: {  	v4 =	vshrl.u32 v10, v4;
	v3 =	vand.u32 $0x1, v3;
	v9 =	vld.idx.msk [tilespmem:v20+s4+$0x0], $0xffff  }
0xb2: {  	v4 =	vand.u32 $0x1, v4;
	v5 =	vshrl.u32 v13, v5;
	[tilespmem:v17+s15+$0x0] =	vst.idx.add.s32.msk $0xffff, v3  }
0xb3: {  	v5 =	vand.u32 $0x1, v5;
	v6 =	vshrl.u32 v15, v6;
	v3 =	vld [tilespmem:s21+$0xFFFFFF90]  }
0xb4: {  	v6 =	vand.u32 $0x1, v6;
	v7 =	vshrl.u32 v16, v7;
	v10 =	vld [tilespmem:s21+$0xFFFFFFA0]  }
0xb5: {  	v7 =	vand.u32 $0x1, v7;
	v8 =	vshrl.u32 v18, v8;
	v13 =	vld [tilespmem:s21+$0xFFFFFFB0]  }
0xb6: {  	v8 =	vand.u32 $0x1, v8;
	v11 =	vshrl.u32 v19, v11;
	v15 =	vld [tilespmem:s21+$0xFFFFFFC0]  }
0xb7: {  	v9 =	vshrl.u32 v9, v12;
	v11 =	vand.u32 $0x1, v11;
	v12 =	vld [tilespmem:s21+$0xFFFFFFD0]  }
0xb8: {  	v9 =	vand.u32 $0x1, v9;
	v16 =	vld [tilespmem:s21+$0xFFFFFFE0]  }
0xb9: {  	[tilespmem:v14+s15+$0x0] =	vst.idx.add.s32.msk $0xffff, v9  }
0xba: {  	[tilespmem:v1+s15+$0x0] =	vst.idx.add.s32.msk $0xffff, v2;
	v2 =	vmov v11  }
.Ltmp7:
0xbb: {  	[tilespmem:v3+s15+$0x0] =	vst.idx.add.s32.msk $0xffff, v4;
	(pc) =	sbr.rel @p0 .LBB2_8-.Ltmp7, $4  }
0xbc: {  	[tilespmem:v10+s15+$0x0] =	vst.idx.add.s32.msk $0xffff, v5  }
0xbd: {  	[tilespmem:v13+s15+$0x0] =	vst.idx.add.s32.msk $0xffff, v6;
	v1 =	vmov v16  }
0xbe: {  	[tilespmem:v15+s15+$0x0] =	vst.idx.add.s32.msk $0xffff, v7  }
0xbf: {  	s21 =	sadd.s32 $0x100, s21;
	[tilespmem:v12+s15+$0x0] =	vst.idx.add.s32.msk $0xffff, v8  }
.Ltmp8:
0xc0: {  	_ = 	snop;
	(pc) =	sbr.rel .LBB2_10-.Ltmp8, $2  }
0xc1: {  	_ =	sdelay $0x2  }
0xc2: {  	[tilespmem:v1+s15+$0x0] =	vst.idx.add.s32.msk $0xffff, v2  }
.LBB2_11:
.Ltmp9:
0xc3: {  	(pc) =	sbr.rel .LBB2_12-.Ltmp9, $3  }
0xc4: {  	_ =	sdelay $0x1  }
0xc5: {  	s19 =	simm.s32 $0x0  }
0xc6: {  	[tilespmem:s12], [sflag:$0x1] =	stream.linear.gather [hbm4b:s8+s19], $0x2800, $0x38;
	[tilespmem:$0x1F000] =	vst v63  }
.LBB2_18:
0xc7: {  	s19 =	sadd.s32 $0x1, s19  }
0xc8: {  	p0 =	sne.s32 s19, $0xA  }
.Ltmp10:
0xc9: {  	_ = 	snop;
	(pc) =	sbr.rel @!p0 .LBB2_19-.Ltmp10, $1  }
0xca: {  	_ =	sdelay $0x3  }
.LBB2_12:
0xcb: {  	s20 =	sshll.u32 s19, $0x6  }
0xcc: {  	s21 =	sor.u32 s11, s20  }
0xcd: {  	_ =	swait.ge [sflag:s14], $0x2800;
	p0 =	sgt.u32 s21, $0x270  }
0xce: {  	[sflag:s14] =	ssyncset.done $0x0;
	s21 =	smul.u32 @!p0 $0x500, s21  }
0xcf: {  	s31 =	simm.s32 $0x1A080;
	[sflag:s14] =	ssyncadd.s32 $0xFFFFD800  }
0xd0: {  	s22 =	simm.s32 @!p0 $0x0;
	s23 =	simm.s32 @!p0 $0x1C800;
	s21 =	sadd.s32 @!p0 s3, s21  }
0xd1: {  	[tilespmem:s23], [sflag:$0x2] =	stream.linear.gather @!p0 [hbm4b:s21+s22], $0x2800, $0x38;
	[tilespmem:$0x1F000] =	vst v63  }
0xd2: {  	v1 =	vld [tilespmem:s31+$0x70]  }
0xd3: {  	v2 =	vld [tilespmem:s31+$0x10]  }
0xd4: {  	v3 =	vld [tilespmem:s31+$0x20]  }
0xd5: {  	v4 =	vld [tilespmem:s31+$0x30]  }
0xd6: {  	v5 =	vld [tilespmem:s31+$0x40]  }
0xd7: {  	v6 =	vld [tilespmem:s31+$0x50]  }
0xd8: {  	v9 =	vld [tilespmem:s31+$0x0]  }
0xd9: {  	v10 =	vld [tilespmem:s31+$0x60];
	v7 =	vand.u32 $0xFFF, v1  }
0xda: {  	v12 =	vld [tilespmem:s31+$0xFFFFFF80]  }
0xdb: {  	v15 =	vld [tilespmem:s31+$0xFFFFFFF0]  }
0xdc: {  	v60 =	vld [tilespmem:s31+$0xFFFFFF90]  }
0xdd: {  	v61 =	vld [tilespmem:s31+$0xFFFFFFA0];
	v17 =	vand.u32 $0xFFF, v9  }
0xde: {  	v8 =	vand.u32 $0xFFF, v2;
	v7 =	vld.idx.msk [tilespmem:v7+s4+$0x0], $0xffff  }
0xdf: {  	v18 =	vld [tilespmem:s31+$0xFFFFFFB0];
	v11 =	vand.u32 $0xFFF, v3  }
0xe0: {  	v19 =	vld [tilespmem:s31+$0xFFFFFFC0]  }
0xe1: {  	v20 =	vld [tilespmem:s31+$0xFFFFFFD0];
	v13 =	vand.u32 $0xFFF, v4  }
0xe2: {  	v14 =	vand.u32 $0xFFF, v5;
	v1 =	vshrl.u32 v1, $0xC;
	v59 =	vld.idx.msk [tilespmem:v17+s4+$0x0], $0xffff  }
0xe3: {  	v16 =	vand.u32 $0xFFF, v6;
	v8 =	vld.idx.msk [tilespmem:v8+s4+$0x0], $0xffff;
	v1 =	vshrl.u32 v7, v1  }
0xe4: {  	v11 =	vld.idx.msk [tilespmem:v11+s4+$0x0], $0xffff;
	v1 =	vandn.u32 $0x1, v1  }
0xe5: {  	[tilespmem:v15+s15+$0x0] =	vst.idx.add.s32.msk $0xffff, v1;
	v1 =	vand.u32 $0xFFF, v10  }
0xe6: {  	v9 =	vshrl.u32 v9, $0xC;
	v13 =	vld.idx.msk [tilespmem:v13+s4+$0x0], $0xffff  }
0xe7: {  	v14 =	vld.idx.msk [tilespmem:v14+s4+$0x0], $0xffff;
	v7 =	vshrl.u32 v59, v9  }
0xe8: {  	v2 =	vshrl.u32 v2, $0xC;
	v16 =	vld.idx.msk [tilespmem:v16+s4+$0x0], $0xffff;
	v7 =	vandn.u32 $0x1, v7  }
0xe9: {  	v3 =	vshrl.u32 v3, $0xC;
	v2 =	vshrl.u32 v8, v2;
	[tilespmem:v12+s15+$0x0] =	vst.idx.add.s32.msk $0xffff, v7  }
0xea: {  	v4 =	vshrl.u32 v4, $0xC;
	v3 =	vshrl.u32 v11, v3;
	v2 =	vandn.u32 $0x1, v2;
	v62 =	vld.idx.msk [tilespmem:v1+s4+$0x0], $0xffff  }
0xeb: {  	v5 =	vshrl.u32 v5, $0xC;
	v4 =	vshrl.u32 v13, v4;
	v3 =	vandn.u32 $0x1, v3;
	[tilespmem:v60+s15+$0x0] =	vst.idx.add.s32.msk $0xffff, v2  }
0xec: {  	v5 =	vshrl.u32 v14, v5;
	v4 =	vandn.u32 $0x1, v4;
	v2 =	vshrl.u32 v6, $0xC;
	[tilespmem:v61+s15+$0x0] =	vst.idx.add.s32.msk $0xffff, v3  }
0xed: {  	v5 =	vandn.u32 $0x1, v5;
	[tilespmem:v18+s15+$0x0] =	vst.idx.add.s32.msk $0xffff, v4;
	v2 =	vshrl.u32 v16, v2  }
0xee: {  	v3 =	vshrl.u32 v10, $0xC;
	[tilespmem:v19+s15+$0x0] =	vst.idx.add.s32.msk $0xffff, v5;
	v63 =	vandn.u32 $0x1, v2  }
0xef: {  	[tilespmem:v20+s15+$0x0] =	vst.idx.add.s32.msk $0xffff, v63;
	v2 =	vshrl.u32 v62, v3  }
0xf0: {  	s21 =	simm.s32 $0x0;
	s22 =	simm.s32 $0x1A180;
	v1 =	vld [tilespmem:s31+$0xFFFFFFE0];
	v2 =	vandn.u32 $0x1, v2  }
.LBB2_13:
0xf1: {  	v3 =	vld [tilespmem:s22+$0x70];
	s21 =	sadd.s32 $0x80, s21  }
0xf2: {  	v4 =	vld [tilespmem:s22+$0x10];
	p1 =	slt.u32 s21, $0x1380  }
0xf3: {  	v5 =	vld [tilespmem:s22+$0x20]  }
0xf4: {  	v6 =	vld [tilespmem:s22+$0x30]  }
0xf5: {  	v7 =	vld [tilespmem:s22+$0x40]  }
0xf6: {  	v8 =	vld [tilespmem:s22+$0x50];
	v9 =	vand.u32 $0xFFF, v3  }
0xf7: {  	v10 =	vand.u32 $0xFFF, v4;
	v4 =	vshrl.u32 v4, $0xC;
	v11 =	vld [tilespmem:s22+$0x60]  }
0xf8: {  	v12 =	vld [tilespmem:s22+$0x0];
	v13 =	vand.u32 $0xFFF, v5;
	v5 =	vshrl.u32 v5, $0xC  }
0xf9: {  	v14 =	vld [tilespmem:s22+$0xFFFFFF80];
	v15 =	vand.u32 $0xFFF, v6;
	v6 =	vshrl.u32 v6, $0xC  }
0xfa: {  	v16 =	vand.u32 $0xFFF, v7;
	v7 =	vshrl.u32 v7, $0xC;
	v17 =	vld [tilespmem:s22+$0xFFFFFFF0]  }
0xfb: {  	v18 =	vand.u32 $0xFFF, v8;
	v8 =	vshrl.u32 v8, $0xC;
	v9 =	vld.idx.msk [tilespmem:v9+s4+$0x0], $0xffff  }
0xfc: {  	v10 =	vld.idx.msk [tilespmem:v10+s4+$0x0], $0xffff;
	v19 =	vand.u32 $0xFFF, v11;
	v11 =	vshrl.u32 v11, $0xC  }
0xfd: {  	v20 =	vand.u32 $0xFFF, v12;
	v12 =	vshrl.u32 v12, $0xC;
	v13 =	vld.idx.msk [tilespmem:v13+s4+$0x0], $0xffff  }
0xfe: {  	v15 =	vld.idx.msk [tilespmem:v15+s4+$0x0], $0xffff  }
0xff: {  	v16 =	vld.idx.msk [tilespmem:v16+s4+$0x0], $0xffff  }
0x100: {  	v3 =	vshrl.u32 v3, $0xC;
	v18 =	vld.idx.msk [tilespmem:v18+s4+$0x0], $0xffff  }
0x101: {  	v3 =	vshrl.u32 v9, v3;
	v19 =	vld.idx.msk [tilespmem:v19+s4+$0x0], $0xffff  }
0x102: {  	v4 =	vshrl.u32 v10, v4;
	v3 =	vandn.u32 $0x1, v3;
	v9 =	vld.idx.msk [tilespmem:v20+s4+$0x0], $0xffff  }
0x103: {  	v4 =	vandn.u32 $0x1, v4;
	v5 =	vshrl.u32 v13, v5;
	[tilespmem:v17+s15+$0x0] =	vst.idx.add.s32.msk $0xffff, v3  }
0x104: {  	v5 =	vandn.u32 $0x1, v5;
	v6 =	vshrl.u32 v15, v6;
	v3 =	vld [tilespmem:s22+$0xFFFFFF90]  }
0x105: {  	v6 =	vandn.u32 $0x1, v6;
	v7 =	vshrl.u32 v16, v7;
	v10 =	vld [tilespmem:s22+$0xFFFFFFA0]  }
0x106: {  	v7 =	vandn.u32 $0x1, v7;
	v8 =	vshrl.u32 v18, v8;
	v13 =	vld [tilespmem:s22+$0xFFFFFFB0]  }
0x107: {  	v8 =	vandn.u32 $0x1, v8;
	v11 =	vshrl.u32 v19, v11;
	v15 =	vld [tilespmem:s22+$0xFFFFFFC0]  }
0x108: {  	v9 =	vshrl.u32 v9, v12;
	v11 =	vandn.u32 $0x1, v11;
	v12 =	vld [tilespmem:s22+$0xFFFFFFD0]  }
0x109: {  	v9 =	vandn.u32 $0x1, v9;
	v16 =	vld [tilespmem:s22+$0xFFFFFFE0]  }
0x10a: {  	[tilespmem:v14+s15+$0x0] =	vst.idx.add.s32.msk $0xffff, v9  }
0x10b: {  	[tilespmem:v1+s15+$0x0] =	vst.idx.add.s32.msk $0xffff, v2;
	v2 =	vmov v11  }
.Ltmp11:
0x10c: {  	[tilespmem:v3+s15+$0x0] =	vst.idx.add.s32.msk $0xffff, v4;
	(pc) =	sbr.rel @p1 .LBB2_13-.Ltmp11, $4  }
0x10d: {  	[tilespmem:v10+s15+$0x0] =	vst.idx.add.s32.msk $0xffff, v5  }
0x10e: {  	[tilespmem:v13+s15+$0x0] =	vst.idx.add.s32.msk $0xffff, v6;
	v1 =	vmov v16  }
0x10f: {  	[tilespmem:v15+s15+$0x0] =	vst.idx.add.s32.msk $0xffff, v7  }
0x110: {  	s22 =	sadd.s32 $0x100, s22;
	[tilespmem:v12+s15+$0x0] =	vst.idx.add.s32.msk $0xffff, v8  }
0x111: {  	_ =	sdelay $0x2  }
0x112: {  	s20 =	sadd.s32 s7, s20  }
.Ltmp12:
0x113: {  	[tilespmem:v1+s15+$0x0] =	vst.idx.add.s32.msk $0xffff, v2;
	s21 =	simm.s32 @!p0 $0x2;
	p1 =	sgt.u32 s20, $0x270;
	(pc) =	sbr.rel @p0 .LBB2_18-.Ltmp12, $4  }
0x114: {  	_ =	swait.ge @!p0 [sflag:s21], $0x2800;
	s20 =	smul.u32 @!p1 $0x500, s20  }
0x115: {  	[sflag:s21] =	ssyncset.done @!p0 $0x0;
	s22 =	simm.s32 @!p1 $0x1A000  }
0x116: {  	[sflag:s21] =	ssyncadd.s32 @!p0 $0xFFFFD800;
	s21 =	simm.s32 @!p1 $0x0;
	s20 =	sadd.s32 @!p1 s3, s20  }
0x117: {  	[tilespmem:s22], [sflag:$0x1] =	stream.linear.gather @!p1 [hbm4b:s20+s21], $0x2800, $0x38;
	[tilespmem:$0x1F000] =	vst v63  }
0x118: {  	s20 =	simm.s32 $0x1C880  }
0x119: {  	v1 =	vld [tilespmem:s20+$0x70]  }
0x11a: {  	v2 =	vld [tilespmem:s20+$0x10]  }
0x11b: {  	v3 =	vld [tilespmem:s20+$0x20]  }
0x11c: {  	v4 =	vld [tilespmem:s20+$0x30]  }
0x11d: {  	v5 =	vld [tilespmem:s20+$0x40]  }
0x11e: {  	v6 =	vld [tilespmem:s20+$0x50]  }
0x11f: {  	v9 =	vld [tilespmem:s20+$0x0]  }
0x120: {  	v10 =	vld [tilespmem:s20+$0x60];
	v7 =	vand.u32 $0xFFF, v1  }
0x121: {  	v12 =	vld [tilespmem:s20+$0xFFFFFF80]  }
0x122: {  	v15 =	vld [tilespmem:s20+$0xFFFFFFF0]  }
0x123: {  	v60 =	vld [tilespmem:s20+$0xFFFFFF90]  }
0x124: {  	v61 =	vld [tilespmem:s20+$0xFFFFFFA0];
	v17 =	vand.u32 $0xFFF, v9  }
0x125: {  	v8 =	vand.u32 $0xFFF, v2;
	v7 =	vld.idx.msk [tilespmem:v7+s4+$0x0], $0xffff  }
0x126: {  	v18 =	vld [tilespmem:s20+$0xFFFFFFB0];
	v11 =	vand.u32 $0xFFF, v3  }
0x127: {  	v19 =	vld [tilespmem:s20+$0xFFFFFFC0]  }
0x128: {  	v20 =	vld [tilespmem:s20+$0xFFFFFFD0];
	v13 =	vand.u32 $0xFFF, v4  }
0x129: {  	v14 =	vand.u32 $0xFFF, v5;
	v1 =	vshrl.u32 v1, $0xC;
	v59 =	vld.idx.msk [tilespmem:v17+s4+$0x0], $0xffff  }
0x12a: {  	v16 =	vand.u32 $0xFFF, v6;
	v8 =	vld.idx.msk [tilespmem:v8+s4+$0x0], $0xffff;
	v1 =	vshrl.u32 v7, v1  }
0x12b: {  	v11 =	vld.idx.msk [tilespmem:v11+s4+$0x0], $0xffff;
	v1 =	vandn.u32 $0x1, v1  }
0x12c: {  	[tilespmem:v15+s15+$0x0] =	vst.idx.add.s32.msk $0xffff, v1;
	v1 =	vand.u32 $0xFFF, v10  }
0x12d: {  	v9 =	vshrl.u32 v9, $0xC;
	v13 =	vld.idx.msk [tilespmem:v13+s4+$0x0], $0xffff  }
0x12e: {  	v14 =	vld.idx.msk [tilespmem:v14+s4+$0x0], $0xffff;
	v7 =	vshrl.u32 v59, v9  }
0x12f: {  	v2 =	vshrl.u32 v2, $0xC;
	v16 =	vld.idx.msk [tilespmem:v16+s4+$0x0], $0xffff;
	v7 =	vandn.u32 $0x1, v7  }
0x130: {  	v3 =	vshrl.u32 v3, $0xC;
	v2 =	vshrl.u32 v8, v2;
	[tilespmem:v12+s15+$0x0] =	vst.idx.add.s32.msk $0xffff, v7  }
0x131: {  	v4 =	vshrl.u32 v4, $0xC;
	v3 =	vshrl.u32 v11, v3;
	v2 =	vandn.u32 $0x1, v2;
	v62 =	vld.idx.msk [tilespmem:v1+s4+$0x0], $0xffff  }
0x132: {  	v5 =	vshrl.u32 v5, $0xC;
	v4 =	vshrl.u32 v13, v4;
	v3 =	vandn.u32 $0x1, v3;
	[tilespmem:v60+s15+$0x0] =	vst.idx.add.s32.msk $0xffff, v2  }
0x133: {  	v5 =	vshrl.u32 v14, v5;
	v4 =	vandn.u32 $0x1, v4;
	v2 =	vshrl.u32 v6, $0xC;
	[tilespmem:v61+s15+$0x0] =	vst.idx.add.s32.msk $0xffff, v3  }
0x134: {  	v5 =	vandn.u32 $0x1, v5;
	[tilespmem:v18+s15+$0x0] =	vst.idx.add.s32.msk $0xffff, v4;
	v2 =	vshrl.u32 v16, v2  }
0x135: {  	v3 =	vshrl.u32 v10, $0xC;
	[tilespmem:v19+s15+$0x0] =	vst.idx.add.s32.msk $0xffff, v5;
	v63 =	vandn.u32 $0x1, v2  }
0x136: {  	[tilespmem:v20+s15+$0x0] =	vst.idx.add.s32.msk $0xffff, v63;
	v2 =	vshrl.u32 v62, v3  }
0x137: {  	s21 =	simm.s32 $0x1C980;
	v1 =	vld [tilespmem:s20+$0xFFFFFFE0];
	s20 =	simm.s32 $0x0;
	v2 =	vandn.u32 $0x1, v2  }
.LBB2_16:
0x138: {  	v3 =	vld [tilespmem:s21+$0x70];
	s20 =	sadd.s32 $0x80, s20  }
0x139: {  	v4 =	vld [tilespmem:s21+$0x10];
	p0 =	slt.u32 s20, $0x1380  }
0x13a: {  	v5 =	vld [tilespmem:s21+$0x20]  }
0x13b: {  	v6 =	vld [tilespmem:s21+$0x30]  }
0x13c: {  	v7 =	vld [tilespmem:s21+$0x40]  }
0x13d: {  	v8 =	vld [tilespmem:s21+$0x50];
	v9 =	vand.u32 $0xFFF, v3  }
0x13e: {  	v10 =	vand.u32 $0xFFF, v4;
	v4 =	vshrl.u32 v4, $0xC;
	v11 =	vld [tilespmem:s21+$0x60]  }
0x13f: {  	v12 =	vld [tilespmem:s21+$0x0];
	v13 =	vand.u32 $0xFFF, v5;
	v5 =	vshrl.u32 v5, $0xC  }
0x140: {  	v14 =	vld [tilespmem:s21+$0xFFFFFF80];
	v15 =	vand.u32 $0xFFF, v6;
	v6 =	vshrl.u32 v6, $0xC  }
0x141: {  	v16 =	vand.u32 $0xFFF, v7;
	v7 =	vshrl.u32 v7, $0xC;
	v17 =	vld [tilespmem:s21+$0xFFFFFFF0]  }
0x142: {  	v18 =	vand.u32 $0xFFF, v8;
	v8 =	vshrl.u32 v8, $0xC;
	v9 =	vld.idx.msk [tilespmem:v9+s4+$0x0], $0xffff  }
0x143: {  	v10 =	vld.idx.msk [tilespmem:v10+s4+$0x0], $0xffff;
	v19 =	vand.u32 $0xFFF, v11;
	v11 =	vshrl.u32 v11, $0xC  }
0x144: {  	v20 =	vand.u32 $0xFFF, v12;
	v12 =	vshrl.u32 v12, $0xC;
	v13 =	vld.idx.msk [tilespmem:v13+s4+$0x0], $0xffff  }
0x145: {  	v15 =	vld.idx.msk [tilespmem:v15+s4+$0x0], $0xffff  }
0x146: {  	v16 =	vld.idx.msk [tilespmem:v16+s4+$0x0], $0xffff  }
0x147: {  	v3 =	vshrl.u32 v3, $0xC;
	v18 =	vld.idx.msk [tilespmem:v18+s4+$0x0], $0xffff  }
0x148: {  	v3 =	vshrl.u32 v9, v3;
	v19 =	vld.idx.msk [tilespmem:v19+s4+$0x0], $0xffff  }
0x149: {  	v4 =	vshrl.u32 v10, v4;
	v3 =	vandn.u32 $0x1, v3;
	v9 =	vld.idx.msk [tilespmem:v20+s4+$0x0], $0xffff  }
0x14a: {  	v4 =	vandn.u32 $0x1, v4;
	v5 =	vshrl.u32 v13, v5;
	[tilespmem:v17+s15+$0x0] =	vst.idx.add.s32.msk $0xffff, v3  }
0x14b: {  	v5 =	vandn.u32 $0x1, v5;
	v6 =	vshrl.u32 v15, v6;
	v3 =	vld [tilespmem:s21+$0xFFFFFF90]  }
0x14c: {  	v6 =	vandn.u32 $0x1, v6;
	v7 =	vshrl.u32 v16, v7;
	v10 =	vld [tilespmem:s21+$0xFFFFFFA0]  }
0x14d: {  	v7 =	vandn.u32 $0x1, v7;
	v8 =	vshrl.u32 v18, v8;
	v13 =	vld [tilespmem:s21+$0xFFFFFFB0]  }
0x14e: {  	v8 =	vandn.u32 $0x1, v8;
	v11 =	vshrl.u32 v19, v11;
	v15 =	vld [tilespmem:s21+$0xFFFFFFC0]  }
0x14f: {  	v9 =	vshrl.u32 v9, v12;
	v11 =	vandn.u32 $0x1, v11;
	v12 =	vld [tilespmem:s21+$0xFFFFFFD0]  }
0x150: {  	v9 =	vandn.u32 $0x1, v9;
	v16 =	vld [tilespmem:s21+$0xFFFFFFE0]  }
0x151: {  	[tilespmem:v14+s15+$0x0] =	vst.idx.add.s32.msk $0xffff, v9  }
0x152: {  	[tilespmem:v1+s15+$0x0] =	vst.idx.add.s32.msk $0xffff, v2;
	v2 =	vmov v11  }
.Ltmp13:
0x153: {  	[tilespmem:v3+s15+$0x0] =	vst.idx.add.s32.msk $0xffff, v4;
	(pc) =	sbr.rel @p0 .LBB2_16-.Ltmp13, $4  }
0x154: {  	[tilespmem:v10+s15+$0x0] =	vst.idx.add.s32.msk $0xffff, v5  }
0x155: {  	[tilespmem:v13+s15+$0x0] =	vst.idx.add.s32.msk $0xffff, v6;
	v1 =	vmov v16  }
0x156: {  	[tilespmem:v15+s15+$0x0] =	vst.idx.add.s32.msk $0xffff, v7  }
0x157: {  	s21 =	sadd.s32 $0x100, s21;
	[tilespmem:v12+s15+$0x0] =	vst.idx.add.s32.msk $0xffff, v8  }
.Ltmp14:
0x158: {  	_ = 	snop;
	(pc) =	sbr.rel .LBB2_18-.Ltmp14, $2  }
0x159: {  	_ =	sdelay $0x2  }
0x15a: {  	[tilespmem:v1+s15+$0x0] =	vst.idx.add.s32.msk $0xffff, v2  }
.LBB2_20:
0x15b: {  	_ =	sfence.sel $0x180000  }
0x15c: {  	[bflag:$0x0] =	sbarrier.arrive $0xFFFF  }
0x15d: {  	p0 =	sne.s32 s1, $0x0;
	_ =	strace $0x90000047  }
0x15e: {  	s0 =	sadd.s32 @!p0 $0x100000, s0;
	[bflag:$0x2] =	sbarrier.arrive $0xFFFF  }
0x15f: {  	[sflag:s0] =	ssyncadd.tile.s32 @!p0 $0x1;
	_ =	shalt  }
.Lfunc_end2:
_tile_overlayer_lowered:
.L_overlay_start_2:
0x160: {  	(tag) =	ssettag $0x2  }
0x161: {  	s0 =	rddreg [dreg:$0x0];
	s2 =	stileid.u32  }
0x162: {  	s1 =	rddreg [dreg:$0x1];
	p0 =	sne.s32 s2, $0x0  }
0x163: {  	s3 =	rddreg [dreg:$0x2];
	[bflag:$0x3] =	sbarrier.arrive $0xFFFF;
	s2 =	simm.s32 @!p0 $0x1C03  }
0x164: {  	[timem:s3], [sflag:s2] =	dma.local @!p0 [hbm:s0], s1  }
0x165: {  	s0 =	simm.s32 @!p0 $0x3  }
0x166: {  	_ =	swait.ge @!p0 [sflag:s0], s1  }
0x167: {  	s1 =	ssub.s32 @!p0 $0x0, s1;
	[sflag:s0] =	ssyncset.done @!p0 $0x0  }
0x168: {  	[sflag:s0] =	ssyncadd.s32 @!p0 s1  }
0x169: {  	[bflag:$0x3] =	sbarrier.arrive $0xFFFF  }
0x16a: {  	_ =	shalt  }

</sc_bundles>
